<compile_context>
chip_gen: v7x
topology: tpu7x:2x2x1
jax: 0.10.2.dev20260603
libtpu: 0.0.44.dev20260713+nightly
codegen_flags: <defaults>
</compile_context>

<pallas_src>
import functools
import jax
import jax.numpy as jnp
from jax import lax
from jax.experimental import pallas as pl
from jax.experimental.pallas import tpu as pltpu
from jax.experimental.pallas import tpu_sc as plsc

_B, _D = 1024, 128
_NP, _NC = 20000, 10000
_TEMP = 0.07
_K = 58
_PMAX = 8
_RB = 128
_CH = 5000
_NEG = -1e30
_BISECT_ITERS = 3

_NPAIR = _B * _PMAX
_NW = 32
_PPW = _NPAIR // _NW
_RPW = _B // _NW


def _sc_gather_body(pc_hbm, spflat_hbm, valid_hbm, cc_hbm, cls_hbm,
                    g_hbm, pv_hbm, g2_hbm,
                    idx_v, rows_v, pv_v, cidx_v, crows_v, sem):
    info = plsc.get_sparse_core_info()
    nc = info.num_cores
    wid = lax.axis_index("s") * nc + lax.axis_index("c")
    base = wid * _PPW
    rbase = wid * _RPW
    pltpu.sync_copy(spflat_hbm.at[pl.ds(base, _PPW)], idx_v)
    pltpu.async_copy(pc_hbm.at[idx_v], rows_v, sem).wait()
    pltpu.sync_copy(rows_v, g_hbm.at[pl.ds(base, _PPW)])
    pltpu.async_copy(valid_hbm.at[idx_v], pv_v, sem).wait()
    pltpu.sync_copy(pv_v, pv_hbm.at[pl.ds(base, _PPW)])
    pltpu.sync_copy(cls_hbm.at[pl.ds(rbase, _RPW)], cidx_v)
    pltpu.async_copy(cc_hbm.at[cidx_v], crows_v, sem).wait()
    pltpu.sync_copy(crows_v, g2_hbm.at[pl.ds(rbase, _RPW)])


def _sc_gather(proxy_centers, spflat, valid1d, class_centers, clsflat):
    mesh = plsc.VectorSubcoreMesh(core_axis_name="c", subcore_axis_name="s")
    kern = functools.partial(
        pl.kernel,
        mesh=mesh,
        out_type=[
            jax.ShapeDtypeStruct((_NPAIR, _D), jnp.float32),
            jax.ShapeDtypeStruct((_NPAIR,), jnp.float32),
            jax.ShapeDtypeStruct((_B, _D), jnp.float32),
        ],
        scratch_types=[
            pltpu.VMEM((_PPW,), jnp.int32),
            pltpu.VMEM((_PPW, _D), jnp.float32),
            pltpu.VMEM((_PPW,), jnp.float32),
            pltpu.VMEM((_RPW,), jnp.int32),
            pltpu.VMEM((_RPW, _D), jnp.float32),
            pltpu.SemaphoreType.DMA,
        ],
    )(_sc_gather_body)
    return kern(proxy_centers, spflat, valid1d, class_centers, clsflat)


def _tc_body(xT_ref, x_ref, g_ref, pvT_ref, g2_ref, pc_ref, cc_ref,
             spT_ref, c2pT_ref, out_ref, w_ref):
    f32 = jnp.float32
    inv_t = 1.0 / _TEMP
    xT = xT_ref[...]
    sp = spT_ref[...]
    x = x_ref[...]

    m0 = jnp.full((1, _RB), _NEG, f32)

    for c in range(_NP // _CH):
        sTc = jax.lax.dot(pc_ref[pl.ds(c * _CH, _CH), :], xT,
                          precision=jax.lax.Precision.DEFAULT,
                          preferred_element_type=f32) * inv_t
        validc = jnp.sum(c2pT_ref[pl.ds(c * _CH, _CH), :].astype(f32),
                         axis=1, keepdims=True) > 0.0
        wc = jnp.where(validc, sTc, _NEG)
        w_ref[pl.ds(c * _CH, _CH), :] = wc
        m0 = jnp.maximum(m0, jnp.max(wc, axis=0, keepdims=True))

    g3 = g_ref[...].reshape(_RB, _PMAX, _D)
    ps_rq = jnp.sum(g3 * x[:, None, :], axis=2) * inv_t
    psT = ps_rq.T
    pv = pvT_ref[...]
    uniq = [jnp.ones((1, _RB), f32)]
    for q in range(1, _PMAX):
        nf = jnp.ones((1, _RB), f32)
        for j in range(q):
            nf = nf * (sp[q:q + 1, :] != sp[j:j + 1, :]).astype(f32)
        uniq.append(nf)
    use = jnp.concatenate(uniq, axis=0) * pv

    n_vp = jnp.sum(use, axis=0, keepdims=True)
    pos_sum_s = jnp.sum(use * psT, axis=0, keepdims=True)
    big_m = jnp.maximum(m0, -1e4)
    pos_exp = jnp.sum(use * jnp.exp(jnp.minimum(psT - big_m, 0.0)),
                      axis=0, keepdims=True)
    budget = jnp.float32(_K) - n_vp

    lo0 = jnp.full((1, _RB), -15.0, f32)
    hi0 = m0 + 1.0

    def step(_, carry):
        lo, hi = carry
        d = (hi - lo) * 0.25
        t1, t2, t3 = lo + d, lo + 2.0 * d, lo + 3.0 * d
        c1 = -jnp.sum(use * (psT >= t1).astype(f32), axis=0, keepdims=True)
        c2 = -jnp.sum(use * (psT >= t2).astype(f32), axis=0, keepdims=True)
        c3 = -jnp.sum(use * (psT >= t3).astype(f32), axis=0, keepdims=True)
        for c in range(_NP // _CH):
            wv = w_ref[pl.ds(c * _CH, _CH), :]
            c1 = c1 + jnp.sum((wv >= t1).astype(f32), axis=0, keepdims=True)
            c2 = c2 + jnp.sum((wv >= t2).astype(f32), axis=0, keepdims=True)
            c3 = c3 + jnp.sum((wv >= t3).astype(f32), axis=0, keepdims=True)
        ge1, ge2, ge3 = c1 >= budget, c2 >= budget, c3 >= budget
        nlo = jnp.where(ge3, t3, jnp.where(ge2, t2, jnp.where(ge1, t1, lo)))
        nhi = jnp.where(~ge1, t1, jnp.where(~ge2, t2, jnp.where(~ge3, t3, hi)))
        return nlo, nhi

    lo, hi = jax.lax.fori_loop(0, _BISECT_ITERS, step, (lo0, hi0))

    posge = use * (psT >= hi).astype(f32)
    c_hi = -jnp.sum(posge, axis=0, keepdims=True)
    s_hi = -jnp.sum(posge * jnp.exp(jnp.minimum(psT - big_m, 0.0)),
                    axis=0, keepdims=True)
    for c in range(_NP // _CH):
        wv = w_ref[pl.ds(c * _CH, _CH), :]
        gehi = wv >= hi
        c_hi = c_hi + jnp.sum(gehi.astype(f32), axis=0, keepdims=True)
        s_hi = s_hi + jnp.sum(
            jnp.where(gehi, jnp.exp(jnp.minimum(wv - big_m, 0.0)), 0.0),
            axis=0, keepdims=True)
    s_band = (budget - c_hi) * jnp.exp(
        jnp.minimum((lo + hi) * 0.5 - big_m, 0.0))
    denom = jnp.maximum(pos_exp + s_hi + s_band, 1e-30)
    lse = big_m + jnp.log(denom)
    per_proxy = jnp.where(
        n_vp > 0.0,
        -(pos_sum_s - n_vp * lse) / jnp.maximum(n_vp, 1.0),
        0.0)

    own = jnp.sum(g2_ref[...] * x, axis=1, keepdims=True).T * inv_t
    cm = jnp.full((1, _RB), _NEG, f32)
    cacc = jnp.zeros((1, _RB), f32)
    for c in range(_NC // _CH):
        csc = jax.lax.dot(cc_ref[pl.ds(c * _CH, _CH), :], xT,
                          precision=jax.lax.Precision.DEFAULT,
                          preferred_element_type=f32) * inv_t
        chm = jnp.max(csc, axis=0, keepdims=True)
        ncm = jnp.maximum(cm, chm)
        cacc = (cacc * jnp.exp(jnp.minimum(cm - ncm, 0.0))
                + jnp.sum(jnp.exp(jnp.minimum(csc - ncm, 0.0)),
                          axis=0, keepdims=True))
        cm = ncm
    clse = cm + jnp.log(cacc)
    out_ref[...] = (per_proxy + clse - own).reshape(1, 1, _RB)


def kernel(inputs, proxies, labels, classes, proxy_centers, class_centers,
           label2proxy, cam2proxy):
    del proxies
    sp = label2proxy[labels].astype(jnp.int32)
    spT = sp.T
    spflat = sp.reshape(_NPAIR)
    xT = inputs.T
    c2pT = (cam2proxy.T > 0.0).astype(jnp.int8)
    valid1d = (cam2proxy.sum(axis=0) > 0.0).astype(jnp.float32)
    clsflat = classes.astype(jnp.int32)

    g, pvflat, g2 = _sc_gather(proxy_centers, spflat, valid1d,
                               class_centers, clsflat)
    pvT = pvflat.reshape(_B, _PMAX).T

    nblk = _B // _RB
    per_row = pl.pallas_call(
        _tc_body,
        grid=(nblk,),
        in_specs=[
            pl.BlockSpec((_D, _RB), lambda i: (0, i)),
            pl.BlockSpec((_RB, _D), lambda i: (i, 0)),
            pl.BlockSpec((_RB * _PMAX, _D), lambda i: (i, 0)),
            pl.BlockSpec((_PMAX, _RB), lambda i: (0, i)),
            pl.BlockSpec((_RB, _D), lambda i: (i, 0)),
            pl.BlockSpec((_NP, _D), lambda i: (0, 0)),
            pl.BlockSpec((_NC, _D), lambda i: (0, 0)),
            pl.BlockSpec((_PMAX, _RB), lambda i: (0, i)),
            pl.BlockSpec((_NP, 8), lambda i: (0, 0)),
        ],
        out_specs=pl.BlockSpec((1, 1, _RB), lambda i: (i, 0, 0)),
        out_shape=jax.ShapeDtypeStruct((nblk, 1, _RB), jnp.float32),
        scratch_shapes=[pltpu.VMEM((_NP, _RB), jnp.float32)],
    )(xT, inputs, g, pvT, g2, proxy_centers, class_centers, spT, c2pT)
    return jnp.mean(per_row)

# --- scband reference (transcript-rebuilt; emitter-appended) ---
"""Pipeline reference for scband-record-memory-52673478918498 (READ-ONLY COPY).

The authoritative reference and input builder live on the scoring server;
editing this copy changes nothing except your own understanding.
"""

import jax, jax.numpy as jnp
import numpy as np

B, D = 1024, 128
N_PROXY, N_CLASS, N_CAM, P_MAX = 20000, 10000, 8, 8
SMOOTH_WEIGHT = 0.2
TEMP = 0.07
BG_KNN = 50
USE_ID_LOSS = True


def setup_inputs(seed: int = 0):
    key = jax.random.key(seed)
    ks = jax.random.split(key, 8)
    inputs = jax.random.normal(ks[0], (B, D), dtype=jnp.float32)
    inputs = inputs / (jnp.linalg.norm(inputs, axis=1, keepdims=True) + 1e-12)
    proxies = jax.random.randint(ks[1], (B,), 0, N_PROXY)
    labels = jax.random.randint(ks[2], (B,), 0, N_CLASS)
    classes = jax.random.randint(ks[3], (B,), 0, N_CLASS)
    proxy_centers = jax.random.normal(ks[4], (N_PROXY, D), dtype=jnp.float32)
    proxy_centers = proxy_centers / (jnp.linalg.norm(proxy_centers, axis=1, keepdims=True) + 1e-12)
    class_centers = jax.random.normal(ks[5], (N_CLASS, D), dtype=jnp.float32)
    class_centers = class_centers / (jnp.linalg.norm(class_centers, axis=1, keepdims=True) + 1e-12)
    label2proxy = jax.random.randint(ks[6], (N_CLASS, P_MAX), 0, N_PROXY)
    cam2proxy = (jax.random.uniform(ks[7], (N_CAM, N_PROXY)) < 0.5).astype(jnp.float32)
    return {"inputs": inputs, "proxies": proxies, "labels": labels, "classes": classes,
            "proxy_centers": proxy_centers, "class_centers": class_centers,
            "label2proxy": label2proxy, "cam2proxy": cam2proxy}


def _cm_forward(x, memory):
    # CM.apply forward: similarity against a memory bank. The custom autograd
    # Function gives NO gradient to the memory (it is updated in-place in the
    # backward pass with momentum SMOOTH_WEIGHT), so we stop_gradient it here.
    return x @ jax.lax.stop_gradient(memory).T


def _proxy_associate_loss(cam2proxy, s_proxies, scores, bg_knn):
    Bn, Np = scores.shape
    pos_mask = jnp.zeros((Bn, Np), dtype=scores.dtype)
    pos_mask = pos_mask.at[jnp.arange(Bn)[:, None], s_proxies].set(1.0)
    valid = jnp.clip(cam2proxy.sum(axis=0), 0.0, 1.0)[None, :]
    sel_det = jax.lax.stop_gradient(scores)
    sel_det = jnp.where(pos_mask > 0, 1e4, sel_det)
    sel_det = jnp.where(valid > 0, sel_det, -1e4)
    k = bg_knn + s_proxies.shape[1]
    _, sel_idx = jax.lax.top_k(sel_det, k)
    sel_scores = jnp.take_along_axis(scores, sel_idx, axis=1)
    sel_pos = jnp.take_along_axis(pos_mask, sel_idx, axis=1)
    logp = jax.nn.log_softmax(sel_scores, axis=1)
    per_sample = -(logp * sel_pos).sum(axis=1) / jnp.maximum(sel_pos.sum(axis=1), 1.0)
    return per_sample.mean()


def reference(inputs, proxies, labels, classes, proxy_centers, class_centers, label2proxy, cam2proxy):
    # compute_loss(inputs, proxies, labels, classes)
    outputs_proxy = _cm_forward(inputs, proxy_centers)
    scores_proxy = outputs_proxy / TEMP
    s_proxies = label2proxy[labels]
    loss_proxy = _proxy_associate_loss(cam2proxy, s_proxies, scores_proxy, BG_KNN)
    loss_class = 0.0
    if USE_ID_LOSS:
        outputs_label = _cm_forward(inputs, class_centers)
        scores_label = outputs_label / TEMP
        logp = jax.nn.log_softmax(scores_label, axis=1)
        loss_class = -jnp.take_along_axis(logp, classes[:, None], axis=1).mean()
    return loss_proxy + loss_class

if __name__ == "__main__":
    import jax
    _d = setup_inputs()
    print(jax.jit(kernel)(*tuple(_d.values())))

</pallas_src>

<mosaic_0001>
#map = affine_map<(d0, d1) -> (0, 0)>
#map1 = affine_map<(d0, d1) -> (0)>
module attributes {stable_mosaic.version = 14 : i64} {
  func.func @_sc_gather_body(%arg0: i32, %arg1: i32, %arg2: memref<20000x128xf32, #tpu.memory_space<hbm>>, %arg3: memref<8192xi32, #tpu.memory_space<hbm>>, %arg4: memref<20000xf32, #tpu.memory_space<hbm>>, %arg5: memref<10000x128xf32, #tpu.memory_space<hbm>>, %arg6: memref<1024xi32, #tpu.memory_space<hbm>>, %arg7: memref<8192x128xf32, #tpu.memory_space<hbm>>, %arg8: memref<8192xf32, #tpu.memory_space<hbm>>, %arg9: memref<1024x128xf32, #tpu.memory_space<hbm>>, %arg10: memref<256xi32, #tpu.memory_space<vmem>>, %arg11: memref<256x128xf32, #tpu.memory_space<vmem>>, %arg12: memref<256xf32, #tpu.memory_space<vmem>>, %arg13: memref<32xi32, #tpu.memory_space<vmem>>, %arg14: memref<32x128xf32, #tpu.memory_space<vmem>>, %arg15: memref<!tpu.dma_semaphore, #tpu.memory_space<semaphore_mem>>) attributes {dimension_semantics = [#tpu.dimension_semantics<core_parallel>, #tpu.dimension_semantics<subcore_parallel>], iteration_bounds = array<i64: 2, 16>, scalar_prefetch = 0 : i64, scratch_operands = 6 : i64, tpu.core_type = #tpu.core_type<sc_vector_subcore>, window_params = [{transform_indices = #map}, {transform_indices = #map1}, {transform_indices = #map1}, {transform_indices = #map}, {transform_indices = #map1}, {transform_indices = #map}, {transform_indices = #map1}, {transform_indices = #map}]} {
    %mul3A = arith.constant 2 : i32
    %mul3A_0 = arith.muli %arg1, %mul3A : i32
    %add3A = arith.addi %mul3A_0, %arg0 : i32
    %mul3A_1 = arith.constant 256 : i32
    %mul3A_2 = arith.muli %add3A, %mul3A_1 : i32
    %mul3A_3 = arith.constant 32 : i32
    %mul3A_4 = arith.muli %add3A, %mul3A_3 : i32
    "tpu.region"() ({
      %run_scoped3A = tpu.sem_alloc : memref<!tpu.dma_semaphore, #tpu.memory_space<semaphore_mem>>
      %dma_start3A_19 = tpu.memref_slice %arg3[%mul3A_2] : memref<8192xi32, #tpu.memory_space<hbm>> -> memref<256xi32, #tpu.memory_space<hbm>>
      %dma_start3A_20 = tpu.memref_slice %arg3[%mul3A_2] : memref<8192xi32, #tpu.memory_space<hbm>> -> memref<256xi32, #tpu.memory_space<hbm>>
      tpu.enqueue_dma source(%dma_start3A_20 : memref<256xi32, #tpu.memory_space<hbm>>) target(%arg10 : memref<256xi32, #tpu.memory_space<vmem>>) target_semaphore(%run_scoped3A : memref<!tpu.dma_semaphore, #tpu.memory_space<semaphore_mem>>)
      %dma_wait3A_21 = tpu.memref_slice %arg3[%mul3A_2] : memref<8192xi32, #tpu.memory_space<hbm>> -> memref<256xi32, #tpu.memory_space<hbm>>
      %dma_wait3A_22 = tpu.memref_slice %arg3[%mul3A_2] : memref<8192xi32, #tpu.memory_space<hbm>> -> memref<256xi32, #tpu.memory_space<hbm>>
      tpu.wait_dma2 semaphore(%run_scoped3A : memref<!tpu.dma_semaphore, #tpu.memory_space<semaphore_mem>>) src(%dma_wait3A_22 : memref<256xi32, #tpu.memory_space<hbm>>) dst(%arg10 : memref<256xi32, #tpu.memory_space<vmem>>)
      tpu.yield
    }) : () -> ()
    %dma_start3A = arith.constant 0 : i32
    %dma_start3A_5 = arith.constant 0 : i32
    %dma_start3A_6 = tpu.memref_slice %arg2[%dma_start3A, %dma_start3A_5] : memref<20000x128xf32, #tpu.memory_space<hbm>> -> memref<20000x128xf32, #tpu.memory_space<hbm>>
    tpu.enqueue_indirect_dma source(%dma_start3A_6 : memref<20000x128xf32, #tpu.memory_space<hbm>>) target(%arg11 : memref<256x128xf32, #tpu.memory_space<vmem>>) offsets(%arg10 : memref<256xi32, #tpu.memory_space<vmem>>) semaphore(%arg15 : memref<!tpu.dma_semaphore, #tpu.memory_space<semaphore_mem>>)
    %dma_wait3A = arith.constant 0 : i32
    %dma_wait3A_7 = arith.constant 0 : i32
    %dma_wait3A_8 = tpu.memref_slice %arg2[%dma_wait3A, %dma_wait3A_7] : memref<20000x128xf32, #tpu.memory_space<hbm>> -> memref<20000x128xf32, #tpu.memory_space<hbm>>
    tpu.wait_indirect_dma semaphore(%arg15 : memref<!tpu.dma_semaphore, #tpu.memory_space<semaphore_mem>>) src(%dma_wait3A_8 : memref<20000x128xf32, #tpu.memory_space<hbm>>) dst(%arg11 : memref<256x128xf32, #tpu.memory_space<vmem>>)
    "tpu.region"() ({
      %run_scoped3A = tpu.sem_alloc : memref<!tpu.dma_semaphore, #tpu.memory_space<semaphore_mem>>
      %dma_start3A_19 = arith.constant 0 : i32
      %dma_start3A_20 = tpu.memref_slice %arg7[%mul3A_2, %dma_start3A_19] : memref<8192x128xf32, #tpu.memory_space<hbm>> -> memref<256x128xf32, #tpu.memory_space<hbm>>
      %dma_start3A_21 = arith.constant 0 : i32
      %dma_start3A_22 = tpu.memref_slice %arg7[%mul3A_2, %dma_start3A_21] : memref<8192x128xf32, #tpu.memory_space<hbm>> -> memref<256x128xf32, #tpu.memory_space<hbm>>
      tpu.enqueue_dma source(%arg11 : memref<256x128xf32, #tpu.memory_space<vmem>>) target(%dma_start3A_22 : memref<256x128xf32, #tpu.memory_space<hbm>>) target_semaphore(%run_scoped3A : memref<!tpu.dma_semaphore, #tpu.memory_space<semaphore_mem>>)
      %dma_wait3A_23 = arith.constant 0 : i32
      %dma_wait3A_24 = tpu.memref_slice %arg7[%mul3A_2, %dma_wait3A_23] : memref<8192x128xf32, #tpu.memory_space<hbm>> -> memref<256x128xf32, #tpu.memory_space<hbm>>
      %dma_wait3A_25 = arith.constant 0 : i32
      %dma_wait3A_26 = tpu.memref_slice %arg7[%mul3A_2, %dma_wait3A_25] : memref<8192x128xf32, #tpu.memory_space<hbm>> -> memref<256x128xf32, #tpu.memory_space<hbm>>
      tpu.wait_dma2 semaphore(%run_scoped3A : memref<!tpu.dma_semaphore, #tpu.memory_space<semaphore_mem>>) src(%arg11 : memref<256x128xf32, #tpu.memory_space<vmem>>) dst(%dma_wait3A_26 : memref<256x128xf32, #tpu.memory_space<hbm>>)
      tpu.yield
    }) : () -> ()
    %dma_start3A_9 = arith.constant 0 : i32
    %dma_start3A_10 = tpu.memref_slice %arg4[%dma_start3A_9] : memref<20000xf32, #tpu.memory_space<hbm>> -> memref<20000xf32, #tpu.memory_space<hbm>>
    tpu.enqueue_indirect_dma source(%dma_start3A_10 : memref<20000xf32, #tpu.memory_space<hbm>>) target(%arg12 : memref<256xf32, #tpu.memory_space<vmem>>) offsets(%arg10 : memref<256xi32, #tpu.memory_space<vmem>>) semaphore(%arg15 : memref<!tpu.dma_semaphore, #tpu.memory_space<semaphore_mem>>)
    %dma_wait3A_11 = arith.constant 0 : i32
    %dma_wait3A_12 = tpu.memref_slice %arg4[%dma_wait3A_11] : memref<20000xf32, #tpu.memory_space<hbm>> -> memref<20000xf32, #tpu.memory_space<hbm>>
    tpu.wait_indirect_dma semaphore(%arg15 : memref<!tpu.dma_semaphore, #tpu.memory_space<semaphore_mem>>) src(%dma_wait3A_12 : memref<20000xf32, #tpu.memory_space<hbm>>) dst(%arg12 : memref<256xf32, #tpu.memory_space<vmem>>)
    "tpu.region"() ({
      %run_scoped3A = tpu.sem_alloc : memref<!tpu.dma_semaphore, #tpu.memory_space<semaphore_mem>>
      %dma_start3A_19 = tpu.memref_slice %arg8[%mul3A_2] : memref<8192xf32, #tpu.memory_space<hbm>> -> memref<256xf32, #tpu.memory_space<hbm>>
      %dma_start3A_20 = tpu.memref_slice %arg8[%mul3A_2] : memref<8192xf32, #tpu.memory_space<hbm>> -> memref<256xf32, #tpu.memory_space<hbm>>
      tpu.enqueue_dma source(%arg12 : memref<256xf32, #tpu.memory_space<vmem>>) target(%dma_start3A_20 : memref<256xf32, #tpu.memory_space<hbm>>) target_semaphore(%run_scoped3A : memref<!tpu.dma_semaphore, #tpu.memory_space<semaphore_mem>>)
      %dma_wait3A_21 = tpu.memref_slice %arg8[%mul3A_2] : memref<8192xf32, #tpu.memory_space<hbm>> -> memref<256xf32, #tpu.memory_space<hbm>>
      %dma_wait3A_22 = tpu.memref_slice %arg8[%mul3A_2] : memref<8192xf32, #tpu.memory_space<hbm>> -> memref<256xf32, #tpu.memory_space<hbm>>
      tpu.wait_dma2 semaphore(%run_scoped3A : memref<!tpu.dma_semaphore, #tpu.memory_space<semaphore_mem>>) src(%arg12 : memref<256xf32, #tpu.memory_space<vmem>>) dst(%dma_wait3A_22 : memref<256xf32, #tpu.memory_space<hbm>>)
      tpu.yield
    }) : () -> ()
    "tpu.region"() ({
      %run_scoped3A = tpu.sem_alloc : memref<!tpu.dma_semaphore, #tpu.memory_space<semaphore_mem>>
      %dma_start3A_19 = tpu.memref_slice %arg6[%mul3A_4] : memref<1024xi32, #tpu.memory_space<hbm>> -> memref<32xi32, #tpu.memory_space<hbm>>
      %dma_start3A_20 = tpu.memref_slice %arg6[%mul3A_4] : memref<1024xi32, #tpu.memory_space<hbm>> -> memref<32xi32, #tpu.memory_space<hbm>>
      tpu.enqueue_dma source(%dma_start3A_20 : memref<32xi32, #tpu.memory_space<hbm>>) target(%arg13 : memref<32xi32, #tpu.memory_space<vmem>>) target_semaphore(%run_scoped3A : memref<!tpu.dma_semaphore, #tpu.memory_space<semaphore_mem>>)
      %dma_wait3A_21 = tpu.memref_slice %arg6[%mul3A_4] : memref<1024xi32, #tpu.memory_space<hbm>> -> memref<32xi32, #tpu.memory_space<hbm>>
      %dma_wait3A_22 = tpu.memref_slice %arg6[%mul3A_4] : memref<1024xi32, #tpu.memory_space<hbm>> -> memref<32xi32, #tpu.memory_space<hbm>>
      tpu.wait_dma2 semaphore(%run_scoped3A : memref<!tpu.dma_semaphore, #tpu.memory_space<semaphore_mem>>) src(%dma_wait3A_22 : memref<32xi32, #tpu.memory_space<hbm>>) dst(%arg13 : memref<32xi32, #tpu.memory_space<vmem>>)
      tpu.yield
    }) : () -> ()
    %dma_start3A_13 = arith.constant 0 : i32
    %dma_start3A_14 = arith.constant 0 : i32
    %dma_start3A_15 = tpu.memref_slice %arg5[%dma_start3A_13, %dma_start3A_14] : memref<10000x128xf32, #tpu.memory_space<hbm>> -> memref<10000x128xf32, #tpu.memory_space<hbm>>
    tpu.enqueue_indirect_dma source(%dma_start3A_15 : memref<10000x128xf32, #tpu.memory_space<hbm>>) target(%arg14 : memref<32x128xf32, #tpu.memory_space<vmem>>) offsets(%arg13 : memref<32xi32, #tpu.memory_space<vmem>>) semaphore(%arg15 : memref<!tpu.dma_semaphore, #tpu.memory_space<semaphore_mem>>)
    %dma_wait3A_16 = arith.constant 0 : i32
    %dma_wait3A_17 = arith.constant 0 : i32
    %dma_wait3A_18 = tpu.memref_slice %arg5[%dma_wait3A_16, %dma_wait3A_17] : memref<10000x128xf32, #tpu.memory_space<hbm>> -> memref<10000x128xf32, #tpu.memory_space<hbm>>
    tpu.wait_indirect_dma semaphore(%arg15 : memref<!tpu.dma_semaphore, #tpu.memory_space<semaphore_mem>>) src(%dma_wait3A_18 : memref<10000x128xf32, #tpu.memory_space<hbm>>) dst(%arg14 : memref<32x128xf32, #tpu.memory_space<vmem>>)
    "tpu.region"() ({
      %run_scoped3A = tpu.sem_alloc : memref<!tpu.dma_semaphore, #tpu.memory_space<semaphore_mem>>
      %dma_start3A_19 = arith.constant 0 : i32
      %dma_start3A_20 = tpu.memref_slice %arg9[%mul3A_4, %dma_start3A_19] : memref<1024x128xf32, #tpu.memory_space<hbm>> -> memref<32x128xf32, #tpu.memory_space<hbm>>
      %dma_start3A_21 = arith.constant 0 : i32
      %dma_start3A_22 = tpu.memref_slice %arg9[%mul3A_4, %dma_start3A_21] : memref<1024x128xf32, #tpu.memory_space<hbm>> -> memref<32x128xf32, #tpu.memory_space<hbm>>
      tpu.enqueue_dma source(%arg14 : memref<32x128xf32, #tpu.memory_space<vmem>>) target(%dma_start3A_22 : memref<32x128xf32, #tpu.memory_space<hbm>>) target_semaphore(%run_scoped3A : memref<!tpu.dma_semaphore, #tpu.memory_space<semaphore_mem>>)
      %dma_wait3A_23 = arith.constant 0 : i32
      %dma_wait3A_24 = tpu.memref_slice %arg9[%mul3A_4, %dma_wait3A_23] : memref<1024x128xf32, #tpu.memory_space<hbm>> -> memref<32x128xf32, #tpu.memory_space<hbm>>
      %dma_wait3A_25 = arith.constant 0 : i32
      %dma_wait3A_26 = tpu.memref_slice %arg9[%mul3A_4, %dma_wait3A_25] : memref<1024x128xf32, #tpu.memory_space<hbm>> -> memref<32x128xf32, #tpu.memory_space<hbm>>
      tpu.wait_dma2 semaphore(%run_scoped3A : memref<!tpu.dma_semaphore, #tpu.memory_space<semaphore_mem>>) src(%arg14 : memref<32x128xf32, #tpu.memory_space<vmem>>) dst(%dma_wait3A_26 : memref<32x128xf32, #tpu.memory_space<hbm>>)
      tpu.yield
    }) : () -> ()
    return
  }
}

module attributes {stable_mosaic.version = 14 : i64} {
  func.func @_tc_body(%arg0: i32, %arg1: memref<128x128xf32, #tpu.memory_space<vmem>>, %arg2: memref<128x128xf32, #tpu.memory_space<vmem>>, %arg3: memref<1024x128xf32, #tpu.memory_space<vmem>>, %arg4: memref<8x128xf32, #tpu.memory_space<vmem>>, %arg5: memref<128x128xf32, #tpu.memory_space<vmem>>, %arg6: memref<20000x128xf32, #tpu.memory_space<vmem>>, %arg7: memref<10000x128xf32, #tpu.memory_space<vmem>>, %arg8: memref<8x128xi32, #tpu.memory_space<vmem>>, %arg9: memref<20000x8xi8, #tpu.memory_space<vmem>>, %arg10: memref<1x1x128xf32, #tpu.memory_space<vmem>>, %arg11: memref<20000x128xf32, #tpu.memory_space<vmem>>) attributes {dimension_semantics = [#tpu.dimension_semantics<arbitrary>], iteration_bounds = array<i64: 8>, scalar_prefetch = 0 : i64, scratch_operands = 1 : i64, tpu.core_type = #tpu.core_type<tc>, window_params = [{transform_indices = @transform_0, window_bounds = array<i64: 128, 128>}, {transform_indices = @transform_1, window_bounds = array<i64: 128, 128>}, {transform_indices = @transform_2, window_bounds = array<i64: 1024, 128>}, {transform_indices = @transform_3, window_bounds = array<i64: 8, 128>}, {transform_indices = @transform_4, window_bounds = array<i64: 128, 128>}, {pipeline_mode = #tpu.pipeline_mode<synchronous>, transform_indices = @transform_5, window_bounds = array<i64: 20000, 128>}, {pipeline_mode = #tpu.pipeline_mode<synchronous>, transform_indices = @transform_6, window_bounds = array<i64: 10000, 128>}, {transform_indices = @transform_7, window_bounds = array<i64: 8, 128>}, {pipeline_mode = #tpu.pipeline_mode<synchronous>, transform_indices = @transform_8, window_bounds = array<i64: 20000, 8>}, {transform_indices = @transform_9, window_bounds = array<i64: 1, 1, 128>}]} {
    %get3A = arith.constant 0 : index
    %get3A_0 = arith.constant 0 : index
    %get3A_1 = vector.load %arg1[%get3A, %get3A_0] : memref<128x128xf32, #tpu.memory_space<vmem>>, vector<128x128xf32>
    %get3A_2 = arith.constant 0 : index
    %get3A_3 = arith.constant 0 : index
    %get3A_4 = vector.load %arg8[%get3A_2, %get3A_3] : memref<8x128xi32, #tpu.memory_space<vmem>>, vector<8x128xi32>
    %get3A_5 = arith.constant 0 : index
    %get3A_6 = arith.constant 0 : index
    %get3A_7 = vector.load %arg2[%get3A_5, %get3A_6] : memref<128x128xf32, #tpu.memory_space<vmem>>, vector<128x128xf32>
    %broadcast_in_dim3A = arith.constant -1.000000e+30 : f32
    %broadcast_in_dim3A_8 = vector.broadcast %broadcast_in_dim3A : f32 to vector<1x128xf32>
    %get3A_9 = arith.constant 0 : index
    %get3A_10 = arith.constant 0 : index
    %get3A_11 = vector.load %arg6[%get3A_9, %get3A_10] : memref<20000x128xf32, #tpu.memory_space<vmem>>, vector<5000x128xf32>
    %dot_general3A = arith.constant dense<0.000000e+00> : vector<5000x128xf32>
    %dot_general3A_12 = tpu.matmul %get3A_11, %get3A_1, %dot_general3A {dimension_numbers = #tpu.dot_dimension_numbers<[1], [0], [0], [1], [0, 0, 1, 1], [], []>, transpose_lhs_hint = false} : vector<5000x128xf32>, vector<128x128xf32>, vector<5000x128xf32> -> vector<5000x128xf32>
    %mul3A = arith.constant 14.2857141 : f32
    %mul3A_13 = vector.broadcast %mul3A : f32 to vector<5000x128xf32>
    %mul3A_14 = arith.mulf %dot_general3A_12, %mul3A_13 : vector<5000x128xf32>
    %get3A_15 = arith.constant 0 : index
    %get3A_16 = arith.constant 0 : index
    %get3A_17 = vector.load %arg9[%get3A_15, %get3A_16] : memref<20000x8xi8, #tpu.memory_space<vmem>>, vector<5000x8xi8>
    %convert_element_type3A = arith.sitofp %get3A_17 : vector<5000x8xi8> to vector<5000x8xf32>
    %reduce_sum3A = arith.constant dense<0.000000e+00> : vector<5000xf32>
    %reduce_sum3A_18 = vector.multi_reduction <add>, %convert_element_type3A, %reduce_sum3A [1] : vector<5000x8xf32> to vector<5000xf32>
    %broadcast_in_dim3A_19 = vector.shape_cast %reduce_sum3A_18 : vector<5000xf32> to vector<5000x1xf32>
    %gt3A = arith.constant 0.000000e+00 : f32
    %gt3A_20 = vector.broadcast %gt3A : f32 to vector<5000x1xf32>
    %gt3A_21 = arith.cmpf ogt, %broadcast_in_dim3A_19, %gt3A_20 : vector<5000x1xf32>
    %jit3A = arith.constant -1.000000e+30 : f32
    %broadcast_in_dim3A_22 = vector.shape_cast %gt3A_21 : vector<5000x1xi1> to vector<5000x1xi1>
    %broadcast_in_dim3A_23 = vector.broadcast %broadcast_in_dim3A_22 : vector<5000x1xi1> to vector<5000x128xi1>
    %broadcast_in_dim3A_24 = vector.broadcast %jit3A : f32 to vector<5000x128xf32>
    %select_n3A = arith.select %broadcast_in_dim3A_23, %mul3A_14, %broadcast_in_dim3A_24 : vector<5000x128xi1>, vector<5000x128xf32>
    %swap3A = arith.constant 0 : index
    %swap3A_25 = arith.constant 0 : index
    %swap3A_26 = vector.load %arg11[%swap3A, %swap3A_25] : memref<20000x128xf32, #tpu.memory_space<vmem>>, vector<5000x128xf32>
    tpu.vector_store %arg11[%swap3A, %swap3A_25], %select_n3A {strides = array<i32>} : memref<20000x128xf32, #tpu.memory_space<vmem>>, vector<5000x128xf32>,
    %reduce_max3A = arith.constant dense<0xFF800000> : vector<128xf32>
    %reduce_max3A_27 = vector.multi_reduction <maximumf>, %select_n3A, %reduce_max3A [0] : vector<5000x128xf32> to vector<128xf32>
    %broadcast_in_dim3A_28 = vector.shape_cast %reduce_max3A_27 : vector<128xf32> to vector<1x128xf32>
    %max3A = arith.maximumf %broadcast_in_dim3A_8, %broadcast_in_dim3A_28 : vector<1x128xf32>
    %get3A_29 = arith.constant 5000 : index
    %get3A_30 = arith.constant 0 : index
    %get3A_31 = vector.load %arg6[%get3A_29, %get3A_30] : memref<20000x128xf32, #tpu.memory_space<vmem>>, vector<5000x128xf32>
    %dot_general3A_32 = arith.constant dense<0.000000e+00> : vector<5000x128xf32>
    %dot_general3A_33 = tpu.matmul %get3A_31, %get3A_1, %dot_general3A_32 {dimension_numbers = #tpu.dot_dimension_numbers<[1], [0], [0], [1], [0, 0, 1, 1], [], []>, transpose_lhs_hint = false} : vector<5000x128xf32>, vector<128x128xf32>, vector<5000x128xf32> -> vector<5000x128xf32>
    %mul3A_34 = arith.constant 14.2857141 : f32
    %mul3A_35 = vector.broadcast %mul3A_34 : f32 to vector<5000x128xf32>
    %mul3A_36 = arith.mulf %dot_general3A_33, %mul3A_35 : vector<5000x128xf32>
    %get3A_37 = arith.constant 5000 : index
    %get3A_38 = arith.constant 0 : index
    %get3A_39 = vector.load %arg9[%get3A_37, %get3A_38] : memref<20000x8xi8, #tpu.memory_space<vmem>>, vector<5000x8xi8>
    %convert_element_type3A_40 = arith.sitofp %get3A_39 : vector<5000x8xi8> to vector<5000x8xf32>
    %reduce_sum3A_41 = arith.constant dense<0.000000e+00> : vector<5000xf32>
    %reduce_sum3A_42 = vector.multi_reduction <add>, %convert_element_type3A_40, %reduce_sum3A_41 [1] : vector<5000x8xf32> to vector<5000xf32>
    %broadcast_in_dim3A_43 = vector.shape_cast %reduce_sum3A_42 : vector<5000xf32> to vector<5000x1xf32>
    %gt3A_44 = arith.constant 0.000000e+00 : f32
    %gt3A_45 = vector.broadcast %gt3A_44 : f32 to vector<5000x1xf32>
    %gt3A_46 = arith.cmpf ogt, %broadcast_in_dim3A_43, %gt3A_45 : vector<5000x1xf32>
    %jit3A_47 = arith.constant -1.000000e+30 : f32
    %broadcast_in_dim3A_48 = vector.shape_cast %gt3A_46 : vector<5000x1xi1> to vector<5000x1xi1>
    %broadcast_in_dim3A_49 = vector.broadcast %broadcast_in_dim3A_48 : vector<5000x1xi1> to vector<5000x128xi1>
    %broadcast_in_dim3A_50 = vector.broadcast %jit3A_47 : f32 to vector<5000x128xf32>
    %select_n3A_51 = arith.select %broadcast_in_dim3A_49, %mul3A_36, %broadcast_in_dim3A_50 : vector<5000x128xi1>, vector<5000x128xf32>
    %swap3A_52 = arith.constant 5000 : index
    %swap3A_53 = arith.constant 0 : index
    %swap3A_54 = vector.load %arg11[%swap3A_52, %swap3A_53] : memref<20000x128xf32, #tpu.memory_space<vmem>>, vector<5000x128xf32>
    tpu.vector_store %arg11[%swap3A_52, %swap3A_53], %select_n3A_51 {strides = array<i32>} : memref<20000x128xf32, #tpu.memory_space<vmem>>, vector<5000x128xf32>,
    %reduce_max3A_55 = arith.constant dense<0xFF800000> : vector<128xf32>
    %reduce_max3A_56 = vector.multi_reduction <maximumf>, %select_n3A_51, %reduce_max3A_55 [0] : vector<5000x128xf32> to vector<128xf32>
    %broadcast_in_dim3A_57 = vector.shape_cast %reduce_max3A_56 : vector<128xf32> to vector<1x128xf32>
    %max3A_58 = arith.maximumf %max3A, %broadcast_in_dim3A_57 : vector<1x128xf32>
    %get3A_59 = arith.constant 10000 : index
    %get3A_60 = arith.constant 0 : index
    %get3A_61 = vector.load %arg6[%get3A_59, %get3A_60] : memref<20000x128xf32, #tpu.memory_space<vmem>>, vector<5000x128xf32>
    %dot_general3A_62 = arith.constant dense<0.000000e+00> : vector<5000x128xf32>
    %dot_general3A_63 = tpu.matmul %get3A_61, %get3A_1, %dot_general3A_62 {dimension_numbers = #tpu.dot_dimension_numbers<[1], [0], [0], [1], [0, 0, 1, 1], [], []>, transpose_lhs_hint = false} : vector<5000x128xf32>, vector<128x128xf32>, vector<5000x128xf32> -> vector<5000x128xf32>
    %mul3A_64 = arith.constant 14.2857141 : f32
    %mul3A_65 = vector.broadcast %mul3A_64 : f32 to vector<5000x128xf32>
    %mul3A_66 = arith.mulf %dot_general3A_63, %mul3A_65 : vector<5000x128xf32>
    %get3A_67 = arith.constant 10000 : index
    %get3A_68 = arith.constant 0 : index
    %get3A_69 = vector.load %arg9[%get3A_67, %get3A_68] : memref<20000x8xi8, #tpu.memory_space<vmem>>, vector<5000x8xi8>
    %convert_element_type3A_70 = arith.sitofp %get3A_69 : vector<5000x8xi8> to vector<5000x8xf32>
    %reduce_sum3A_71 = arith.constant dense<0.000000e+00> : vector<5000xf32>
    %reduce_sum3A_72 = vector.multi_reduction <add>, %convert_element_type3A_70, %reduce_sum3A_71 [1] : vector<5000x8xf32> to vector<5000xf32>
    %broadcast_in_dim3A_73 = vector.shape_cast %reduce_sum3A_72 : vector<5000xf32> to vector<5000x1xf32>
    %gt3A_74 = arith.constant 0.000000e+00 : f32
    %gt3A_75 = vector.broadcast %gt3A_74 : f32 to vector<5000x1xf32>
    %gt3A_76 = arith.cmpf ogt, %broadcast_in_dim3A_73, %gt3A_75 : vector<5000x1xf32>
    %jit3A_77 = arith.constant -1.000000e+30 : f32
    %broadcast_in_dim3A_78 = vector.shape_cast %gt3A_76 : vector<5000x1xi1> to vector<5000x1xi1>
    %broadcast_in_dim3A_79 = vector.broadcast %broadcast_in_dim3A_78 : vector<5000x1xi1> to vector<5000x128xi1>
    %broadcast_in_dim3A_80 = vector.broadcast %jit3A_77 : f32 to vector<5000x128xf32>
    %select_n3A_81 = arith.select %broadcast_in_dim3A_79, %mul3A_66, %broadcast_in_dim3A_80 : vector<5000x128xi1>, vector<5000x128xf32>
    %swap3A_82 = arith.constant 10000 : index
    %swap3A_83 = arith.constant 0 : index
    %swap3A_84 = vector.load %arg11[%swap3A_82, %swap3A_83] : memref<20000x128xf32, #tpu.memory_space<vmem>>, vector<5000x128xf32>
    tpu.vector_store %arg11[%swap3A_82, %swap3A_83], %select_n3A_81 {strides = array<i32>} : memref<20000x128xf32, #tpu.memory_space<vmem>>, vector<5000x128xf32>,
    %reduce_max3A_85 = arith.constant dense<0xFF800000> : vector<128xf32>
    %reduce_max3A_86 = vector.multi_reduction <maximumf>, %select_n3A_81, %reduce_max3A_85 [0] : vector<5000x128xf32> to vector<128xf32>
    %broadcast_in_dim3A_87 = vector.shape_cast %reduce_max3A_86 : vector<128xf32> to vector<1x128xf32>
    %max3A_88 = arith.maximumf %max3A_58, %broadcast_in_dim3A_87 : vector<1x128xf32>
    %get3A_89 = arith.constant 15000 : index
    %get3A_90 = arith.constant 0 : index
    %get3A_91 = vector.load %arg6[%get3A_89, %get3A_90] : memref<20000x128xf32, #tpu.memory_space<vmem>>, vector<5000x128xf32>
    %dot_general3A_92 = arith.constant dense<0.000000e+00> : vector<5000x128xf32>
    %dot_general3A_93 = tpu.matmul %get3A_91, %get3A_1, %dot_general3A_92 {dimension_numbers = #tpu.dot_dimension_numbers<[1], [0], [0], [1], [0, 0, 1, 1], [], []>, transpose_lhs_hint = false} : vector<5000x128xf32>, vector<128x128xf32>, vector<5000x128xf32> -> vector<5000x128xf32>
    %mul3A_94 = arith.constant 14.2857141 : f32
    %mul3A_95 = vector.broadcast %mul3A_94 : f32 to vector<5000x128xf32>
    %mul3A_96 = arith.mulf %dot_general3A_93, %mul3A_95 : vector<5000x128xf32>
    %get3A_97 = arith.constant 15000 : index
    %get3A_98 = arith.constant 0 : index
    %get3A_99 = vector.load %arg9[%get3A_97, %get3A_98] : memref<20000x8xi8, #tpu.memory_space<vmem>>, vector<5000x8xi8>
    %convert_element_type3A_100 = arith.sitofp %get3A_99 : vector<5000x8xi8> to vector<5000x8xf32>
    %reduce_sum3A_101 = arith.constant dense<0.000000e+00> : vector<5000xf32>
    %reduce_sum3A_102 = vector.multi_reduction <add>, %convert_element_type3A_100, %reduce_sum3A_101 [1] : vector<5000x8xf32> to vector<5000xf32>
    %broadcast_in_dim3A_103 = vector.shape_cast %reduce_sum3A_102 : vector<5000xf32> to vector<5000x1xf32>
    %gt3A_104 = arith.constant 0.000000e+00 : f32
    %gt3A_105 = vector.broadcast %gt3A_104 : f32 to vector<5000x1xf32>
    %gt3A_106 = arith.cmpf ogt, %broadcast_in_dim3A_103, %gt3A_105 : vector<5000x1xf32>
    %jit3A_107 = arith.constant -1.000000e+30 : f32
    %broadcast_in_dim3A_108 = vector.shape_cast %gt3A_106 : vector<5000x1xi1> to vector<5000x1xi1>
    %broadcast_in_dim3A_109 = vector.broadcast %broadcast_in_dim3A_108 : vector<5000x1xi1> to vector<5000x128xi1>
    %broadcast_in_dim3A_110 = vector.broadcast %jit3A_107 : f32 to vector<5000x128xf32>
    %select_n3A_111 = arith.select %broadcast_in_dim3A_109, %mul3A_96, %broadcast_in_dim3A_110 : vector<5000x128xi1>, vector<5000x128xf32>
    %swap3A_112 = arith.constant 15000 : index
    %swap3A_113 = arith.constant 0 : index
    %swap3A_114 = vector.load %arg11[%swap3A_112, %swap3A_113] : memref<20000x128xf32, #tpu.memory_space<vmem>>, vector<5000x128xf32>
    tpu.vector_store %arg11[%swap3A_112, %swap3A_113], %select_n3A_111 {strides = array<i32>} : memref<20000x128xf32, #tpu.memory_space<vmem>>, vector<5000x128xf32>,
    %reduce_max3A_115 = arith.constant dense<0xFF800000> : vector<128xf32>
    %reduce_max3A_116 = vector.multi_reduction <maximumf>, %select_n3A_111, %reduce_max3A_115 [0] : vector<5000x128xf32> to vector<128xf32>
    %broadcast_in_dim3A_117 = vector.shape_cast %reduce_max3A_116 : vector<128xf32> to vector<1x128xf32>
    %max3A_118 = arith.maximumf %max3A_88, %broadcast_in_dim3A_117 : vector<1x128xf32>
    %get3A_119 = arith.constant 0 : index
    %get3A_120 = arith.constant 0 : index
    %get3A_121 = vector.load %arg3[%get3A_119, %get3A_120] : memref<1024x128xf32, #tpu.memory_space<vmem>>, vector<1024x128xf32>
    %reshape3A = vector.shape_cast %get3A_121 : vector<1024x128xf32> to vector<128x8x128xf32>
    %broadcast_in_dim3A_122 = vector.shape_cast %get3A_7 : vector<128x128xf32> to vector<128x1x128xf32>
    %mul3A_123 = vector.broadcast %broadcast_in_dim3A_122 : vector<128x1x128xf32> to vector<128x8x128xf32>
    %mul3A_124 = arith.mulf %reshape3A, %mul3A_123 : vector<128x8x128xf32>
    %reduce_sum3A_125 = arith.constant dense<0.000000e+00> : vector<128x8xf32>
    %reduce_sum3A_126 = vector.multi_reduction <add>, %mul3A_124, %reduce_sum3A_125 [2] : vector<128x8x128xf32> to vector<128x8xf32>
    %mul3A_127 = arith.constant 14.2857141 : f32
    %mul3A_128 = vector.broadcast %mul3A_127 : f32 to vector<128x8xf32>
    %mul3A_129 = arith.mulf %reduce_sum3A_126, %mul3A_128 : vector<128x8xf32>
    %transpose3A = tpu.transpose %mul3A_129, [1, 0] : vector<128x8xf32> -> vector<8x128xf32>
    %get3A_130 = arith.constant 0 : index
    %get3A_131 = arith.constant 0 : index
    %get3A_132 = vector.load %arg4[%get3A_130, %get3A_131] : memref<8x128xf32, #tpu.memory_space<vmem>>, vector<8x128xf32>
    %broadcast_in_dim3A_133 = arith.constant 1.000000e+00 : f32
    %broadcast_in_dim3A_134 = vector.broadcast %broadcast_in_dim3A_133 : f32 to vector<1x128xf32>
    %broadcast_in_dim3A_135 = arith.constant 1.000000e+00 : f32
    %broadcast_in_dim3A_136 = vector.broadcast %broadcast_in_dim3A_135 : f32 to vector<1x128xf32>
    %slice3A = vector.extract_strided_slice %get3A_4 {offsets = [1, 0], sizes = [1, 128], strides = [1, 1]} : vector<8x128xi32> to vector<1x128xi32>
    %slice3A_137 = vector.extract_strided_slice %get3A_4 {offsets = [0, 0], sizes = [1, 128], strides = [1, 1]} : vector<8x128xi32> to vector<1x128xi32>
    %ne3A = arith.cmpi ne, %slice3A, %slice3A_137 : vector<1x128xi32>
    %convert_element_type3A_138 = arith.extui %ne3A : vector<1x128xi1> to vector<1x128xi32>
    %convert_element_type3A_139 = arith.sitofp %convert_element_type3A_138 : vector<1x128xi32> to vector<1x128xf32>
    %mul3A_140 = arith.mulf %broadcast_in_dim3A_136, %convert_element_type3A_139 : vector<1x128xf32>
    %broadcast_in_dim3A_141 = arith.constant 1.000000e+00 : f32
    %broadcast_in_dim3A_142 = vector.broadcast %broadcast_in_dim3A_141 : f32 to vector<1x128xf32>
    %slice3A_143 = vector.extract_strided_slice %get3A_4 {offsets = [2, 0], sizes = [1, 128], strides = [1, 1]} : vector<8x128xi32> to vector<1x128xi32>
    %slice3A_144 = vector.extract_strided_slice %get3A_4 {offsets = [0, 0], sizes = [1, 128], strides = [1, 1]} : vector<8x128xi32> to vector<1x128xi32>
    %ne3A_145 = arith.cmpi ne, %slice3A_143, %slice3A_144 : vector<1x128xi32>
    %convert_element_type3A_146 = arith.extui %ne3A_145 : vector<1x128xi1> to vector<1x128xi32>
    %convert_element_type3A_147 = arith.sitofp %convert_element_type3A_146 : vector<1x128xi32> to vector<1x128xf32>
    %mul3A_148 = arith.mulf %broadcast_in_dim3A_142, %convert_element_type3A_147 : vector<1x128xf32>
    %slice3A_149 = vector.extract_strided_slice %get3A_4 {offsets = [2, 0], sizes = [1, 128], strides = [1, 1]} : vector<8x128xi32> to vector<1x128xi32>
    %slice3A_150 = vector.extract_strided_slice %get3A_4 {offsets = [1, 0], sizes = [1, 128], strides = [1, 1]} : vector<8x128xi32> to vector<1x128xi32>
    %ne3A_151 = arith.cmpi ne, %slice3A_149, %slice3A_150 : vector<1x128xi32>
    %convert_element_type3A_152 = arith.extui %ne3A_151 : vector<1x128xi1> to vector<1x128xi32>
    %convert_element_type3A_153 = arith.sitofp %convert_element_type3A_152 : vector<1x128xi32> to vector<1x128xf32>
    %mul3A_154 = arith.mulf %mul3A_148, %convert_element_type3A_153 : vector<1x128xf32>
    %broadcast_in_dim3A_155 = arith.constant 1.000000e+00 : f32
    %broadcast_in_dim3A_156 = vector.broadcast %broadcast_in_dim3A_155 : f32 to vector<1x128xf32>
    %slice3A_157 = vector.extract_strided_slice %get3A_4 {offsets = [3, 0], sizes = [1, 128], strides = [1, 1]} : vector<8x128xi32> to vector<1x128xi32>
    %slice3A_158 = vector.extract_strided_slice %get3A_4 {offsets = [0, 0], sizes = [1, 128], strides = [1, 1]} : vector<8x128xi32> to vector<1x128xi32>
    %ne3A_159 = arith.cmpi ne, %slice3A_157, %slice3A_158 : vector<1x128xi32>
    %convert_element_type3A_160 = arith.extui %ne3A_159 : vector<1x128xi1> to vector<1x128xi32>
    %convert_element_type3A_161 = arith.sitofp %convert_element_type3A_160 : vector<1x128xi32> to vector<1x128xf32>
    %mul3A_162 = arith.mulf %broadcast_in_dim3A_156, %convert_element_type3A_161 : vector<1x128xf32>
    %slice3A_163 = vector.extract_strided_slice %get3A_4 {offsets = [3, 0], sizes = [1, 128], strides = [1, 1]} : vector<8x128xi32> to vector<1x128xi32>
    %slice3A_164 = vector.extract_strided_slice %get3A_4 {offsets = [1, 0], sizes = [1, 128], strides = [1, 1]} : vector<8x128xi32> to vector<1x128xi32>
    %ne3A_165 = arith.cmpi ne, %slice3A_163, %slice3A_164 : vector<1x128xi32>
    %convert_element_type3A_166 = arith.extui %ne3A_165 : vector<1x128xi1> to vector<1x128xi32>
    %convert_element_type3A_167 = arith.sitofp %convert_element_type3A_166 : vector<1x128xi32> to vector<1x128xf32>
    %mul3A_168 = arith.mulf %mul3A_162, %convert_element_type3A_167 : vector<1x128xf32>
    %slice3A_169 = vector.extract_strided_slice %get3A_4 {offsets = [3, 0], sizes = [1, 128], strides = [1, 1]} : vector<8x128xi32> to vector<1x128xi32>
    %slice3A_170 = vector.extract_strided_slice %get3A_4 {offsets = [2, 0], sizes = [1, 128], strides = [1, 1]} : vector<8x128xi32> to vector<1x128xi32>
    %ne3A_171 = arith.cmpi ne, %slice3A_169, %slice3A_170 : vector<1x128xi32>
    %convert_element_type3A_172 = arith.extui %ne3A_171 : vector<1x128xi1> to vector<1x128xi32>
    %convert_element_type3A_173 = arith.sitofp %convert_element_type3A_172 : vector<1x128xi32> to vector<1x128xf32>
    %mul3A_174 = arith.mulf %mul3A_168, %convert_element_type3A_173 : vector<1x128xf32>
    %broadcast_in_dim3A_175 = arith.constant 1.000000e+00 : f32
    %broadcast_in_dim3A_176 = vector.broadcast %broadcast_in_dim3A_175 : f32 to vector<1x128xf32>
    %slice3A_177 = vector.extract_strided_slice %get3A_4 {offsets = [4, 0], sizes = [1, 128], strides = [1, 1]} : vector<8x128xi32> to vector<1x128xi32>
    %slice3A_178 = vector.extract_strided_slice %get3A_4 {offsets = [0, 0], sizes = [1, 128], strides = [1, 1]} : vector<8x128xi32> to vector<1x128xi32>
    %ne3A_179 = arith.cmpi ne, %slice3A_177, %slice3A_178 : vector<1x128xi32>
    %convert_element_type3A_180 = arith.extui %ne3A_179 : vector<1x128xi1> to vector<1x128xi32>
    %convert_element_type3A_181 = arith.sitofp %convert_element_type3A_180 : vector<1x128xi32> to vector<1x128xf32>
    %mul3A_182 = arith.mulf %broadcast_in_dim3A_176, %convert_element_type3A_181 : vector<1x128xf32>
    %slice3A_183 = vector.extract_strided_slice %get3A_4 {offsets = [4, 0], sizes = [1, 128], strides = [1, 1]} : vector<8x128xi32> to vector<1x128xi32>
    %slice3A_184 = vector.extract_strided_slice %get3A_4 {offsets = [1, 0], sizes = [1, 128], strides = [1, 1]} : vector<8x128xi32> to vector<1x128xi32>
    %ne3A_185 = arith.cmpi ne, %slice3A_183, %slice3A_184 : vector<1x128xi32>
    %convert_element_type3A_186 = arith.extui %ne3A_185 : vector<1x128xi1> to vector<1x128xi32>
    %convert_element_type3A_187 = arith.sitofp %convert_element_type3A_186 : vector<1x128xi32> to vector<1x128xf32>
    %mul3A_188 = arith.mulf %mul3A_182, %convert_element_type3A_187 : vector<1x128xf32>
    %slice3A_189 = vector.extract_strided_slice %get3A_4 {offsets = [4, 0], sizes = [1, 128], strides = [1, 1]} : vector<8x128xi32> to vector<1x128xi32>
    %slice3A_190 = vector.extract_strided_slice %get3A_4 {offsets = [2, 0], sizes = [1, 128], strides = [1, 1]} : vector<8x128xi32> to vector<1x128xi32>
    %ne3A_191 = arith.cmpi ne, %slice3A_189, %slice3A_190 : vector<1x128xi32>
    %convert_element_type3A_192 = arith.extui %ne3A_191 : vector<1x128xi1> to vector<1x128xi32>
    %convert_element_type3A_193 = arith.sitofp %convert_element_type3A_192 : vector<1x128xi32> to vector<1x128xf32>
    %mul3A_194 = arith.mulf %mul3A_188, %convert_element_type3A_193 : vector<1x128xf32>
    %slice3A_195 = vector.extract_strided_slice %get3A_4 {offsets = [4, 0], sizes = [1, 128], strides = [1, 1]} : vector<8x128xi32> to vector<1x128xi32>
    %slice3A_196 = vector.extract_strided_slice %get3A_4 {offsets = [3, 0], sizes = [1, 128], strides = [1, 1]} : vector<8x128xi32> to vector<1x128xi32>
    %ne3A_197 = arith.cmpi ne, %slice3A_195, %slice3A_196 : vector<1x128xi32>
    %convert_element_type3A_198 = arith.extui %ne3A_197 : vector<1x128xi1> to vector<1x128xi32>
    %convert_element_type3A_199 = arith.sitofp %convert_element_type3A_198 : vector<1x128xi32> to vector<1x128xf32>
    %mul3A_200 = arith.mulf %mul3A_194, %convert_element_type3A_199 : vector<1x128xf32>
    %broadcast_in_dim3A_201 = arith.constant 1.000000e+00 : f32
    %broadcast_in_dim3A_202 = vector.broadcast %broadcast_in_dim3A_201 : f32 to vector<1x128xf32>
    %slice3A_203 = vector.extract_strided_slice %get3A_4 {offsets = [5, 0], sizes = [1, 128], strides = [1, 1]} : vector<8x128xi32> to vector<1x128xi32>
    %slice3A_204 = vector.extract_strided_slice %get3A_4 {offsets = [0, 0], sizes = [1, 128], strides = [1, 1]} : vector<8x128xi32> to vector<1x128xi32>
    %ne3A_205 = arith.cmpi ne, %slice3A_203, %slice3A_204 : vector<1x128xi32>
    %convert_element_type3A_206 = arith.extui %ne3A_205 : vector<1x128xi1> to vector<1x128xi32>
    %convert_element_type3A_207 = arith.sitofp %convert_element_type3A_206 : vector<1x128xi32> to vector<1x128xf32>
    %mul3A_208 = arith.mulf %broadcast_in_dim3A_202, %convert_element_type3A_207 : vector<1x128xf32>
    %slice3A_209 = vector.extract_strided_slice %get3A_4 {offsets = [5, 0], sizes = [1, 128], strides = [1, 1]} : vector<8x128xi32> to vector<1x128xi32>
    %slice3A_210 = vector.extract_strided_slice %get3A_4 {offsets = [1, 0], sizes = [1, 128], strides = [1, 1]} : vector<8x128xi32> to vector<1x128xi32>
    %ne3A_211 = arith.cmpi ne, %slice3A_209, %slice3A_210 : vector<1x128xi32>
    %convert_element_type3A_212 = arith.extui %ne3A_211 : vector<1x128xi1> to vector<1x128xi32>
    %convert_element_type3A_213 = arith.sitofp %convert_element_type3A_212 : vector<1x128xi32> to vector<1x128xf32>
    %mul3A_214 = arith.mulf %mul3A_208, %convert_element_type3A_213 : vector<1x128xf32>
    %slice3A_215 = vector.extract_strided_slice %get3A_4 {offsets = [5, 0], sizes = [1, 128], strides = [1, 1]} : vector<8x128xi32> to vector<1x128xi32>
    %slice3A_216 = vector.extract_strided_slice %get3A_4 {offsets = [2, 0], sizes = [1, 128], strides = [1, 1]} : vector<8x128xi32> to vector<1x128xi32>
    %ne3A_217 = arith.cmpi ne, %slice3A_215, %slice3A_216 : vector<1x128xi32>
    %convert_element_type3A_218 = arith.extui %ne3A_217 : vector<1x128xi1> to vector<1x128xi32>
    %convert_element_type3A_219 = arith.sitofp %convert_element_type3A_218 : vector<1x128xi32> to vector<1x128xf32>
    %mul3A_220 = arith.mulf %mul3A_214, %convert_element_type3A_219 : vector<1x128xf32>
    %slice3A_221 = vector.extract_strided_slice %get3A_4 {offsets = [5, 0], sizes = [1, 128], strides = [1, 1]} : vector<8x128xi32> to vector<1x128xi32>
    %slice3A_222 = vector.extract_strided_slice %get3A_4 {offsets = [3, 0], sizes = [1, 128], strides = [1, 1]} : vector<8x128xi32> to vector<1x128xi32>
    %ne3A_223 = arith.cmpi ne, %slice3A_221, %slice3A_222 : vector<1x128xi32>
    %convert_element_type3A_224 = arith.extui %ne3A_223 : vector<1x128xi1> to vector<1x128xi32>
    %convert_element_type3A_225 = arith.sitofp %convert_element_type3A_224 : vector<1x128xi32> to vector<1x128xf32>
    %mul3A_226 = arith.mulf %mul3A_220, %convert_element_type3A_225 : vector<1x128xf32>
    %slice3A_227 = vector.extract_strided_slice %get3A_4 {offsets = [5, 0], sizes = [1, 128], strides = [1, 1]} : vector<8x128xi32> to vector<1x128xi32>
    %slice3A_228 = vector.extract_strided_slice %get3A_4 {offsets = [4, 0], sizes = [1, 128], strides = [1, 1]} : vector<8x128xi32> to vector<1x128xi32>
    %ne3A_229 = arith.cmpi ne, %slice3A_227, %slice3A_228 : vector<1x128xi32>
    %convert_element_type3A_230 = arith.extui %ne3A_229 : vector<1x128xi1> to vector<1x128xi32>
    %convert_element_type3A_231 = arith.sitofp %convert_element_type3A_230 : vector<1x128xi32> to vector<1x128xf32>
    %mul3A_232 = arith.mulf %mul3A_226, %convert_element_type3A_231 : vector<1x128xf32>
    %broadcast_in_dim3A_233 = arith.constant 1.000000e+00 : f32
    %broadcast_in_dim3A_234 = vector.broadcast %broadcast_in_dim3A_233 : f32 to vector<1x128xf32>
    %slice3A_235 = vector.extract_strided_slice %get3A_4 {offsets = [6, 0], sizes = [1, 128], strides = [1, 1]} : vector<8x128xi32> to vector<1x128xi32>
    %slice3A_236 = vector.extract_strided_slice %get3A_4 {offsets = [0, 0], sizes = [1, 128], strides = [1, 1]} : vector<8x128xi32> to vector<1x128xi32>
    %ne3A_237 = arith.cmpi ne, %slice3A_235, %slice3A_236 : vector<1x128xi32>
    %convert_element_type3A_238 = arith.extui %ne3A_237 : vector<1x128xi1> to vector<1x128xi32>
    %convert_element_type3A_239 = arith.sitofp %convert_element_type3A_238 : vector<1x128xi32> to vector<1x128xf32>
    %mul3A_240 = arith.mulf %broadcast_in_dim3A_234, %convert_element_type3A_239 : vector<1x128xf32>
    %slice3A_241 = vector.extract_strided_slice %get3A_4 {offsets = [6, 0], sizes = [1, 128], strides = [1, 1]} : vector<8x128xi32> to vector<1x128xi32>
    %slice3A_242 = vector.extract_strided_slice %get3A_4 {offsets = [1, 0], sizes = [1, 128], strides = [1, 1]} : vector<8x128xi32> to vector<1x128xi32>
    %ne3A_243 = arith.cmpi ne, %slice3A_241, %slice3A_242 : vector<1x128xi32>
    %convert_element_type3A_244 = arith.extui %ne3A_243 : vector<1x128xi1> to vector<1x128xi32>
    %convert_element_type3A_245 = arith.sitofp %convert_element_type3A_244 : vector<1x128xi32> to vector<1x128xf32>
    %mul3A_246 = arith.mulf %mul3A_240, %convert_element_type3A_245 : vector<1x128xf32>
    %slice3A_247 = vector.extract_strided_slice %get3A_4 {offsets = [6, 0], sizes = [1, 128], strides = [1, 1]} : vector<8x128xi32> to vector<1x128xi32>
    %slice3A_248 = vector.extract_strided_slice %get3A_4 {offsets = [2, 0], sizes = [1, 128], strides = [1, 1]} : vector<8x128xi32> to vector<1x128xi32>
    %ne3A_249 = arith.cmpi ne, %slice3A_247, %slice3A_248 : vector<1x128xi32>
    %convert_element_type3A_250 = arith.extui %ne3A_249 : vector<1x128xi1> to vector<1x128xi32>
    %convert_element_type3A_251 = arith.sitofp %convert_element_type3A_250 : vector<1x128xi32> to vector<1x128xf32>
    %mul3A_252 = arith.mulf %mul3A_246, %convert_element_type3A_251 : vector<1x128xf32>
    %slice3A_253 = vector.extract_strided_slice %get3A_4 {offsets = [6, 0], sizes = [1, 128], strides = [1, 1]} : vector<8x128xi32> to vector<1x128xi32>
    %slice3A_254 = vector.extract_strided_slice %get3A_4 {offsets = [3, 0], sizes = [1, 128], strides = [1, 1]} : vector<8x128xi32> to vector<1x128xi32>
    %ne3A_255 = arith.cmpi ne, %slice3A_253, %slice3A_254 : vector<1x128xi32>
    %convert_element_type3A_256 = arith.extui %ne3A_255 : vector<1x128xi1> to vector<1x128xi32>
    %convert_element_type3A_257 = arith.sitofp %convert_element_type3A_256 : vector<1x128xi32> to vector<1x128xf32>
    %mul3A_258 = arith.mulf %mul3A_252, %convert_element_type3A_257 : vector<1x128xf32>
    %slice3A_259 = vector.extract_strided_slice %get3A_4 {offsets = [6, 0], sizes = [1, 128], strides = [1, 1]} : vector<8x128xi32> to vector<1x128xi32>
    %slice3A_260 = vector.extract_strided_slice %get3A_4 {offsets = [4, 0], sizes = [1, 128], strides = [1, 1]} : vector<8x128xi32> to vector<1x128xi32>
    %ne3A_261 = arith.cmpi ne, %slice3A_259, %slice3A_260 : vector<1x128xi32>
    %convert_element_type3A_262 = arith.extui %ne3A_261 : vector<1x128xi1> to vector<1x128xi32>
    %convert_element_type3A_263 = arith.sitofp %convert_element_type3A_262 : vector<1x128xi32> to vector<1x128xf32>
    %mul3A_264 = arith.mulf %mul3A_258, %convert_element_type3A_263 : vector<1x128xf32>
    %slice3A_265 = vector.extract_strided_slice %get3A_4 {offsets = [6, 0], sizes = [1, 128], strides = [1, 1]} : vector<8x128xi32> to vector<1x128xi32>
    %slice3A_266 = vector.extract_strided_slice %get3A_4 {offsets = [5, 0], sizes = [1, 128], strides = [1, 1]} : vector<8x128xi32> to vector<1x128xi32>
    %ne3A_267 = arith.cmpi ne, %slice3A_265, %slice3A_266 : vector<1x128xi32>
    %convert_element_type3A_268 = arith.extui %ne3A_267 : vector<1x128xi1> to vector<1x128xi32>
    %convert_element_type3A_269 = arith.sitofp %convert_element_type3A_268 : vector<1x128xi32> to vector<1x128xf32>
    %mul3A_270 = arith.mulf %mul3A_264, %convert_element_type3A_269 : vector<1x128xf32>
    %broadcast_in_dim3A_271 = arith.constant 1.000000e+00 : f32
    %broadcast_in_dim3A_272 = vector.broadcast %broadcast_in_dim3A_271 : f32 to vector<1x128xf32>
    %slice3A_273 = vector.extract_strided_slice %get3A_4 {offsets = [7, 0], sizes = [1, 128], strides = [1, 1]} : vector<8x128xi32> to vector<1x128xi32>
    %slice3A_274 = vector.extract_strided_slice %get3A_4 {offsets = [0, 0], sizes = [1, 128], strides = [1, 1]} : vector<8x128xi32> to vector<1x128xi32>
    %ne3A_275 = arith.cmpi ne, %slice3A_273, %slice3A_274 : vector<1x128xi32>
    %convert_element_type3A_276 = arith.extui %ne3A_275 : vector<1x128xi1> to vector<1x128xi32>
    %convert_element_type3A_277 = arith.sitofp %convert_element_type3A_276 : vector<1x128xi32> to vector<1x128xf32>
    %mul3A_278 = arith.mulf %broadcast_in_dim3A_272, %convert_element_type3A_277 : vector<1x128xf32>
    %slice3A_279 = vector.extract_strided_slice %get3A_4 {offsets = [7, 0], sizes = [1, 128], strides = [1, 1]} : vector<8x128xi32> to vector<1x128xi32>
    %slice3A_280 = vector.extract_strided_slice %get3A_4 {offsets = [1, 0], sizes = [1, 128], strides = [1, 1]} : vector<8x128xi32> to vector<1x128xi32>
    %ne3A_281 = arith.cmpi ne, %slice3A_279, %slice3A_280 : vector<1x128xi32>
    %convert_element_type3A_282 = arith.extui %ne3A_281 : vector<1x128xi1> to vector<1x128xi32>
    %convert_element_type3A_283 = arith.sitofp %convert_element_type3A_282 : vector<1x128xi32> to vector<1x128xf32>
    %mul3A_284 = arith.mulf %mul3A_278, %convert_element_type3A_283 : vector<1x128xf32>
    %slice3A_285 = vector.extract_strided_slice %get3A_4 {offsets = [7, 0], sizes = [1, 128], strides = [1, 1]} : vector<8x128xi32> to vector<1x128xi32>
    %slice3A_286 = vector.extract_strided_slice %get3A_4 {offsets = [2, 0], sizes = [1, 128], strides = [1, 1]} : vector<8x128xi32> to vector<1x128xi32>
    %ne3A_287 = arith.cmpi ne, %slice3A_285, %slice3A_286 : vector<1x128xi32>
    %convert_element_type3A_288 = arith.extui %ne3A_287 : vector<1x128xi1> to vector<1x128xi32>
    %convert_element_type3A_289 = arith.sitofp %convert_element_type3A_288 : vector<1x128xi32> to vector<1x128xf32>
    %mul3A_290 = arith.mulf %mul3A_284, %convert_element_type3A_289 : vector<1x128xf32>
    %slice3A_291 = vector.extract_strided_slice %get3A_4 {offsets = [7, 0], sizes = [1, 128], strides = [1, 1]} : vector<8x128xi32> to vector<1x128xi32>
    %slice3A_292 = vector.extract_strided_slice %get3A_4 {offsets = [3, 0], sizes = [1, 128], strides = [1, 1]} : vector<8x128xi32> to vector<1x128xi32>
    %ne3A_293 = arith.cmpi ne, %slice3A_291, %slice3A_292 : vector<1x128xi32>
    %convert_element_type3A_294 = arith.extui %ne3A_293 : vector<1x128xi1> to vector<1x128xi32>
    %convert_element_type3A_295 = arith.sitofp %convert_element_type3A_294 : vector<1x128xi32> to vector<1x128xf32>
    %mul3A_296 = arith.mulf %mul3A_290, %convert_element_type3A_295 : vector<1x128xf32>
    %slice3A_297 = vector.extract_strided_slice %get3A_4 {offsets = [7, 0], sizes = [1, 128], strides = [1, 1]} : vector<8x128xi32> to vector<1x128xi32>
    %slice3A_298 = vector.extract_strided_slice %get3A_4 {offsets = [4, 0], sizes = [1, 128], strides = [1, 1]} : vector<8x128xi32> to vector<1x128xi32>
    %ne3A_299 = arith.cmpi ne, %slice3A_297, %slice3A_298 : vector<1x128xi32>
    %convert_element_type3A_300 = arith.extui %ne3A_299 : vector<1x128xi1> to vector<1x128xi32>
    %convert_element_type3A_301 = arith.sitofp %convert_element_type3A_300 : vector<1x128xi32> to vector<1x128xf32>
    %mul3A_302 = arith.mulf %mul3A_296, %convert_element_type3A_301 : vector<1x128xf32>
    %slice3A_303 = vector.extract_strided_slice %get3A_4 {offsets = [7, 0], sizes = [1, 128], strides = [1, 1]} : vector<8x128xi32> to vector<1x128xi32>
    %slice3A_304 = vector.extract_strided_slice %get3A_4 {offsets = [5, 0], sizes = [1, 128], strides = [1, 1]} : vector<8x128xi32> to vector<1x128xi32>
    %ne3A_305 = arith.cmpi ne, %slice3A_303, %slice3A_304 : vector<1x128xi32>
    %convert_element_type3A_306 = arith.extui %ne3A_305 : vector<1x128xi1> to vector<1x128xi32>
    %convert_element_type3A_307 = arith.sitofp %convert_element_type3A_306 : vector<1x128xi32> to vector<1x128xf32>
    %mul3A_308 = arith.mulf %mul3A_302, %convert_element_type3A_307 : vector<1x128xf32>
    %slice3A_309 = vector.extract_strided_slice %get3A_4 {offsets = [7, 0], sizes = [1, 128], strides = [1, 1]} : vector<8x128xi32> to vector<1x128xi32>
    %slice3A_310 = vector.extract_strided_slice %get3A_4 {offsets = [6, 0], sizes = [1, 128], strides = [1, 1]} : vector<8x128xi32> to vector<1x128xi32>
    %ne3A_311 = arith.cmpi ne, %slice3A_309, %slice3A_310 : vector<1x128xi32>
    %convert_element_type3A_312 = arith.extui %ne3A_311 : vector<1x128xi1> to vector<1x128xi32>
    %convert_element_type3A_313 = arith.sitofp %convert_element_type3A_312 : vector<1x128xi32> to vector<1x128xf32>
    %mul3A_314 = arith.mulf %mul3A_308, %convert_element_type3A_313 : vector<1x128xf32>
    %concatenate3A = tpu.concatenate %broadcast_in_dim3A_134, %mul3A_140, %mul3A_154, %mul3A_174, %mul3A_200, %mul3A_232, %mul3A_270, %mul3A_314 in 0 : vector<1x128xf32>, vector<1x128xf32>, vector<1x128xf32>, vector<1x128xf32>, vector<1x128xf32>, vector<1x128xf32>, vector<1x128xf32>, vector<1x128xf32> -> vector<8x128xf32>
    %mul3A_315 = arith.mulf %concatenate3A, %get3A_132 : vector<8x128xf32>
    %reduce_sum3A_316 = arith.constant dense<0.000000e+00> : vector<128xf32>
    %reduce_sum3A_317 = vector.multi_reduction <add>, %mul3A_315, %reduce_sum3A_316 [0] : vector<8x128xf32> to vector<128xf32>
    %broadcast_in_dim3A_318 = vector.shape_cast %reduce_sum3A_317 : vector<128xf32> to vector<1x128xf32>
    %mul3A_319 = arith.mulf %mul3A_315, %transpose3A : vector<8x128xf32>
    %reduce_sum3A_320 = arith.constant dense<0.000000e+00> : vector<128xf32>
    %reduce_sum3A_321 = vector.multi_reduction <add>, %mul3A_319, %reduce_sum3A_320 [0] : vector<8x128xf32> to vector<128xf32>
    %broadcast_in_dim3A_322 = vector.shape_cast %reduce_sum3A_321 : vector<128xf32> to vector<1x128xf32>
    %max3A_323 = arith.constant -1.000000e+04 : f32
    %max3A_324 = vector.broadcast %max3A_323 : f32 to vector<1x128xf32>
    %max3A_325 = arith.maximumf %max3A_118, %max3A_324 : vector<1x128xf32>
    %sub3A = vector.broadcast %max3A_325 : vector<1x128xf32> to vector<8x128xf32>
    %sub3A_326 = arith.subf %transpose3A, %sub3A : vector<8x128xf32>
    %min3A = arith.constant 0.000000e+00 : f32
    %min3A_327 = vector.broadcast %min3A : f32 to vector<8x128xf32>
    %min3A_328 = arith.minimumf %sub3A_326, %min3A_327 : vector<8x128xf32>
    %exp3A = math.exp %min3A_328 : vector<8x128xf32>
    %mul3A_329 = arith.mulf %mul3A_315, %exp3A : vector<8x128xf32>
    %reduce_sum3A_330 = arith.constant dense<0.000000e+00> : vector<128xf32>
    %reduce_sum3A_331 = vector.multi_reduction <add>, %mul3A_329, %reduce_sum3A_330 [0] : vector<8x128xf32> to vector<128xf32>
    %broadcast_in_dim3A_332 = vector.shape_cast %reduce_sum3A_331 : vector<128xf32> to vector<1x128xf32>
    %sub3A_333 = arith.constant 5.800000e+01 : f32
    %sub3A_334 = vector.broadcast %sub3A_333 : f32 to vector<1x128xf32>
    %sub3A_335 = arith.subf %sub3A_334, %broadcast_in_dim3A_318 : vector<1x128xf32>
    %broadcast_in_dim3A_336 = arith.constant -1.500000e+01 : f32
    %broadcast_in_dim3A_337 = vector.broadcast %broadcast_in_dim3A_336 : f32 to vector<1x128xf32>
    %add3A = arith.constant 1.000000e+00 : f32
    %add3A_338 = vector.broadcast %add3A : f32 to vector<1x128xf32>
    %add3A_339 = arith.addf %max3A_118, %add3A_338 : vector<1x128xf32>
    %scan3A = arith.constant 0 : i32
    %scan3A_340 = arith.constant 3 : i32
    %scan3A_341 = arith.addi %scan3A, %scan3A_340 : i32
    %scan3A_342 = arith.constant 1 : i32
    %scan3A_343:2 = scf.for %scan3A_573 = %scan3A to %scan3A_341 step %scan3A_342 iter_args(%scan3A_574 = %broadcast_in_dim3A_337, %scan3A_575 = %add3A_339) -> (vector<1x128xf32>, vector<1x128xf32>)  : i32 {
      %sub3A_576 = arith.subf %scan3A_575, %scan3A_574 : vector<1x128xf32>
      %mul3A_577 = arith.constant 2.500000e-01 : f32
      %mul3A_578 = vector.broadcast %mul3A_577 : f32 to vector<1x128xf32>
      %mul3A_579 = arith.mulf %sub3A_576, %mul3A_578 : vector<1x128xf32>
      %add3A_580 = arith.addf %scan3A_574, %mul3A_579 : vector<1x128xf32>
      %mul3A_581 = arith.constant 2.000000e+00 : f32
      %mul3A_582 = vector.broadcast %mul3A_581 : f32 to vector<1x128xf32>
      %mul3A_583 = arith.mulf %mul3A_582, %mul3A_579 : vector<1x128xf32>
      %add3A_584 = arith.addf %scan3A_574, %mul3A_583 : vector<1x128xf32>
      %mul3A_585 = arith.constant 3.000000e+00 : f32
      %mul3A_586 = vector.broadcast %mul3A_585 : f32 to vector<1x128xf32>
      %mul3A_587 = arith.mulf %mul3A_586, %mul3A_579 : vector<1x128xf32>
      %add3A_588 = arith.addf %scan3A_574, %mul3A_587 : vector<1x128xf32>
      %ge3A_589 = vector.broadcast %add3A_580 : vector<1x128xf32> to vector<8x128xf32>
      %ge3A_590 = arith.cmpf oge, %transpose3A, %ge3A_589 : vector<8x128xf32>
      %convert_element_type3A_591 = arith.extui %ge3A_590 : vector<8x128xi1> to vector<8x128xi32>
      %convert_element_type3A_592 = arith.sitofp %convert_element_type3A_591 : vector<8x128xi32> to vector<8x128xf32>
      %mul3A_593 = arith.mulf %mul3A_315, %convert_element_type3A_592 : vector<8x128xf32>
      %reduce_sum3A_594 = arith.constant dense<0.000000e+00> : vector<128xf32>
      %reduce_sum3A_595 = vector.multi_reduction <add>, %mul3A_593, %reduce_sum3A_594 [0] : vector<8x128xf32> to vector<128xf32>
      %broadcast_in_dim3A_596 = vector.shape_cast %reduce_sum3A_595 : vector<128xf32> to vector<1x128xf32>
      %neg3A_597 = arith.constant 0.000000e+00 : f32
      %neg3A_598 = vector.broadcast %neg3A_597 : f32 to vector<1x128xf32>
      %neg3A_599 = arith.subf %neg3A_598, %broadcast_in_dim3A_596 : vector<1x128xf32>
      %ge3A_600 = vector.broadcast %add3A_584 : vector<1x128xf32> to vector<8x128xf32>
      %ge3A_601 = arith.cmpf oge, %transpose3A, %ge3A_600 : vector<8x128xf32>
      %convert_element_type3A_602 = arith.extui %ge3A_601 : vector<8x128xi1> to vector<8x128xi32>
      %convert_element_type3A_603 = arith.sitofp %convert_element_type3A_602 : vector<8x128xi32> to vector<8x128xf32>
      %mul3A_604 = arith.mulf %mul3A_315, %convert_element_type3A_603 : vector<8x128xf32>
      %reduce_sum3A_605 = arith.constant dense<0.000000e+00> : vector<128xf32>
      %reduce_sum3A_606 = vector.multi_reduction <add>, %mul3A_604, %reduce_sum3A_605 [0] : vector<8x128xf32> to vector<128xf32>
      %broadcast_in_dim3A_607 = vector.shape_cast %reduce_sum3A_606 : vector<128xf32> to vector<1x128xf32>
      %neg3A_608 = arith.constant 0.000000e+00 : f32
      %neg3A_609 = vector.broadcast %neg3A_608 : f32 to vector<1x128xf32>
      %neg3A_610 = arith.subf %neg3A_609, %broadcast_in_dim3A_607 : vector<1x128xf32>
      %ge3A_611 = vector.broadcast %add3A_588 : vector<1x128xf32> to vector<8x128xf32>
      %ge3A_612 = arith.cmpf oge, %transpose3A, %ge3A_611 : vector<8x128xf32>
      %convert_element_type3A_613 = arith.extui %ge3A_612 : vector<8x128xi1> to vector<8x128xi32>
      %convert_element_type3A_614 = arith.sitofp %convert_element_type3A_613 : vector<8x128xi32> to vector<8x128xf32>
      %mul3A_615 = arith.mulf %mul3A_315, %convert_element_type3A_614 : vector<8x128xf32>
      %reduce_sum3A_616 = arith.constant dense<0.000000e+00> : vector<128xf32>
      %reduce_sum3A_617 = vector.multi_reduction <add>, %mul3A_615, %reduce_sum3A_616 [0] : vector<8x128xf32> to vector<128xf32>
      %broadcast_in_dim3A_618 = vector.shape_cast %reduce_sum3A_617 : vector<128xf32> to vector<1x128xf32>
      %neg3A_619 = arith.constant 0.000000e+00 : f32
      %neg3A_620 = vector.broadcast %neg3A_619 : f32 to vector<1x128xf32>
      %neg3A_621 = arith.subf %neg3A_620, %broadcast_in_dim3A_618 : vector<1x128xf32>
      %get3A_622 = arith.constant 0 : index
      %get3A_623 = arith.constant 0 : index
      %get3A_624 = vector.load %arg11[%get3A_622, %get3A_623] : memref<20000x128xf32, #tpu.memory_space<vmem>>, vector<5000x128xf32>
      %ge3A_625 = vector.broadcast %add3A_580 : vector<1x128xf32> to vector<5000x128xf32>
      %ge3A_626 = arith.cmpf oge, %get3A_624, %ge3A_625 : vector<5000x128xf32>
      %convert_element_type3A_627 = arith.extui %ge3A_626 : vector<5000x128xi1> to vector<5000x128xi32>
      %convert_element_type3A_628 = arith.sitofp %convert_element_type3A_627 : vector<5000x128xi32> to vector<5000x128xf32>
      %reduce_sum3A_629 = arith.constant dense<0.000000e+00> : vector<128xf32>
      %reduce_sum3A_630 = vector.multi_reduction <add>, %convert_element_type3A_628, %reduce_sum3A_629 [0] : vector<5000x128xf32> to vector<128xf32>
      %broadcast_in_dim3A_631 = vector.shape_cast %reduce_sum3A_630 : vector<128xf32> to vector<1x128xf32>
      %add3A_632 = arith.addf %neg3A_599, %broadcast_in_dim3A_631 : vector<1x128xf32>
      %ge3A_633 = vector.broadcast %add3A_584 : vector<1x128xf32> to vector<5000x128xf32>
      %ge3A_634 = arith.cmpf oge, %get3A_624, %ge3A_633 : vector<5000x128xf32>
      %convert_element_type3A_635 = arith.extui %ge3A_634 : vector<5000x128xi1> to vector<5000x128xi32>
      %convert_element_type3A_636 = arith.sitofp %convert_element_type3A_635 : vector<5000x128xi32> to vector<5000x128xf32>
      %reduce_sum3A_637 = arith.constant dense<0.000000e+00> : vector<128xf32>
      %reduce_sum3A_638 = vector.multi_reduction <add>, %convert_element_type3A_636, %reduce_sum3A_637 [0] : vector<5000x128xf32> to vector<128xf32>
      %broadcast_in_dim3A_639 = vector.shape_cast %reduce_sum3A_638 : vector<128xf32> to vector<1x128xf32>
      %add3A_640 = arith.addf %neg3A_610, %broadcast_in_dim3A_639 : vector<1x128xf32>
      %ge3A_641 = vector.broadcast %add3A_588 : vector<1x128xf32> to vector<5000x128xf32>
      %ge3A_642 = arith.cmpf oge, %get3A_624, %ge3A_641 : vector<5000x128xf32>
      %convert_element_type3A_643 = arith.extui %ge3A_642 : vector<5000x128xi1> to vector<5000x128xi32>
      %convert_element_type3A_644 = arith.sitofp %convert_element_type3A_643 : vector<5000x128xi32> to vector<5000x128xf32>
      %reduce_sum3A_645 = arith.constant dense<0.000000e+00> : vector<128xf32>
      %reduce_sum3A_646 = vector.multi_reduction <add>, %convert_element_type3A_644, %reduce_sum3A_645 [0] : vector<5000x128xf32> to vector<128xf32>
      %broadcast_in_dim3A_647 = vector.shape_cast %reduce_sum3A_646 : vector<128xf32> to vector<1x128xf32>
      %add3A_648 = arith.addf %neg3A_621, %broadcast_in_dim3A_647 : vector<1x128xf32>
      %get3A_649 = arith.constant 5000 : index
      %get3A_650 = arith.constant 0 : index
      %get3A_651 = vector.load %arg11[%get3A_649, %get3A_650] : memref<20000x128xf32, #tpu.memory_space<vmem>>, vector<5000x128xf32>
      %ge3A_652 = vector.broadcast %add3A_580 : vector<1x128xf32> to vector<5000x128xf32>
      %ge3A_653 = arith.cmpf oge, %get3A_651, %ge3A_652 : vector<5000x128xf32>
      %convert_element_type3A_654 = arith.extui %ge3A_653 : vector<5000x128xi1> to vector<5000x128xi32>
      %convert_element_type3A_655 = arith.sitofp %convert_element_type3A_654 : vector<5000x128xi32> to vector<5000x128xf32>
      %reduce_sum3A_656 = arith.constant dense<0.000000e+00> : vector<128xf32>
      %reduce_sum3A_657 = vector.multi_reduction <add>, %convert_element_type3A_655, %reduce_sum3A_656 [0] : vector<5000x128xf32> to vector<128xf32>
      %broadcast_in_dim3A_658 = vector.shape_cast %reduce_sum3A_657 : vector<128xf32> to vector<1x128xf32>
      %add3A_659 = arith.addf %add3A_632, %broadcast_in_dim3A_658 : vector<1x128xf32>
      %ge3A_660 = vector.broadcast %add3A_584 : vector<1x128xf32> to vector<5000x128xf32>
      %ge3A_661 = arith.cmpf oge, %get3A_651, %ge3A_660 : vector<5000x128xf32>
      %convert_element_type3A_662 = arith.extui %ge3A_661 : vector<5000x128xi1> to vector<5000x128xi32>
      %convert_element_type3A_663 = arith.sitofp %convert_element_type3A_662 : vector<5000x128xi32> to vector<5000x128xf32>
      %reduce_sum3A_664 = arith.constant dense<0.000000e+00> : vector<128xf32>
      %reduce_sum3A_665 = vector.multi_reduction <add>, %convert_element_type3A_663, %reduce_sum3A_664 [0] : vector<5000x128xf32> to vector<128xf32>
      %broadcast_in_dim3A_666 = vector.shape_cast %reduce_sum3A_665 : vector<128xf32> to vector<1x128xf32>
      %add3A_667 = arith.addf %add3A_640, %broadcast_in_dim3A_666 : vector<1x128xf32>
      %ge3A_668 = vector.broadcast %add3A_588 : vector<1x128xf32> to vector<5000x128xf32>
      %ge3A_669 = arith.cmpf oge, %get3A_651, %ge3A_668 : vector<5000x128xf32>
      %convert_element_type3A_670 = arith.extui %ge3A_669 : vector<5000x128xi1> to vector<5000x128xi32>
      %convert_element_type3A_671 = arith.sitofp %convert_element_type3A_670 : vector<5000x128xi32> to vector<5000x128xf32>
      %reduce_sum3A_672 = arith.constant dense<0.000000e+00> : vector<128xf32>
      %reduce_sum3A_673 = vector.multi_reduction <add>, %convert_element_type3A_671, %reduce_sum3A_672 [0] : vector<5000x128xf32> to vector<128xf32>
      %broadcast_in_dim3A_674 = vector.shape_cast %reduce_sum3A_673 : vector<128xf32> to vector<1x128xf32>
      %add3A_675 = arith.addf %add3A_648, %broadcast_in_dim3A_674 : vector<1x128xf32>
      %get3A_676 = arith.constant 10000 : index
      %get3A_677 = arith.constant 0 : index
      %get3A_678 = vector.load %arg11[%get3A_676, %get3A_677] : memref<20000x128xf32, #tpu.memory_space<vmem>>, vector<5000x128xf32>
      %ge3A_679 = vector.broadcast %add3A_580 : vector<1x128xf32> to vector<5000x128xf32>
      %ge3A_680 = arith.cmpf oge, %get3A_678, %ge3A_679 : vector<5000x128xf32>
      %convert_element_type3A_681 = arith.extui %ge3A_680 : vector<5000x128xi1> to vector<5000x128xi32>
      %convert_element_type3A_682 = arith.sitofp %convert_element_type3A_681 : vector<5000x128xi32> to vector<5000x128xf32>
      %reduce_sum3A_683 = arith.constant dense<0.000000e+00> : vector<128xf32>
      %reduce_sum3A_684 = vector.multi_reduction <add>, %convert_element_type3A_682, %reduce_sum3A_683 [0] : vector<5000x128xf32> to vector<128xf32>
      %broadcast_in_dim3A_685 = vector.shape_cast %reduce_sum3A_684 : vector<128xf32> to vector<1x128xf32>
      %add3A_686 = arith.addf %add3A_659, %broadcast_in_dim3A_685 : vector<1x128xf32>
      %ge3A_687 = vector.broadcast %add3A_584 : vector<1x128xf32> to vector<5000x128xf32>
      %ge3A_688 = arith.cmpf oge, %get3A_678, %ge3A_687 : vector<5000x128xf32>
      %convert_element_type3A_689 = arith.extui %ge3A_688 : vector<5000x128xi1> to vector<5000x128xi32>
      %convert_element_type3A_690 = arith.sitofp %convert_element_type3A_689 : vector<5000x128xi32> to vector<5000x128xf32>
      %reduce_sum3A_691 = arith.constant dense<0.000000e+00> : vector<128xf32>
      %reduce_sum3A_692 = vector.multi_reduction <add>, %convert_element_type3A_690, %reduce_sum3A_691 [0] : vector<5000x128xf32> to vector<128xf32>
      %broadcast_in_dim3A_693 = vector.shape_cast %reduce_sum3A_692 : vector<128xf32> to vector<1x128xf32>
      %add3A_694 = arith.addf %add3A_667, %broadcast_in_dim3A_693 : vector<1x128xf32>
      %ge3A_695 = vector.broadcast %add3A_588 : vector<1x128xf32> to vector<5000x128xf32>
      %ge3A_696 = arith.cmpf oge, %get3A_678, %ge3A_695 : vector<5000x128xf32>
      %convert_element_type3A_697 = arith.extui %ge3A_696 : vector<5000x128xi1> to vector<5000x128xi32>
      %convert_element_type3A_698 = arith.sitofp %convert_element_type3A_697 : vector<5000x128xi32> to vector<5000x128xf32>
      %reduce_sum3A_699 = arith.constant dense<0.000000e+00> : vector<128xf32>
      %reduce_sum3A_700 = vector.multi_reduction <add>, %convert_element_type3A_698, %reduce_sum3A_699 [0] : vector<5000x128xf32> to vector<128xf32>
      %broadcast_in_dim3A_701 = vector.shape_cast %reduce_sum3A_700 : vector<128xf32> to vector<1x128xf32>
      %add3A_702 = arith.addf %add3A_675, %broadcast_in_dim3A_701 : vector<1x128xf32>
      %get3A_703 = arith.constant 15000 : index
      %get3A_704 = arith.constant 0 : index
      %get3A_705 = vector.load %arg11[%get3A_703, %get3A_704] : memref<20000x128xf32, #tpu.memory_space<vmem>>, vector<5000x128xf32>
      %ge3A_706 = vector.broadcast %add3A_580 : vector<1x128xf32> to vector<5000x128xf32>
      %ge3A_707 = arith.cmpf oge, %get3A_705, %ge3A_706 : vector<5000x128xf32>
      %convert_element_type3A_708 = arith.extui %ge3A_707 : vector<5000x128xi1> to vector<5000x128xi32>
      %convert_element_type3A_709 = arith.sitofp %convert_element_type3A_708 : vector<5000x128xi32> to vector<5000x128xf32>
      %reduce_sum3A_710 = arith.constant dense<0.000000e+00> : vector<128xf32>
      %reduce_sum3A_711 = vector.multi_reduction <add>, %convert_element_type3A_709, %reduce_sum3A_710 [0] : vector<5000x128xf32> to vector<128xf32>
      %broadcast_in_dim3A_712 = vector.shape_cast %reduce_sum3A_711 : vector<128xf32> to vector<1x128xf32>
      %add3A_713 = arith.addf %add3A_686, %broadcast_in_dim3A_712 : vector<1x128xf32>
      %ge3A_714 = vector.broadcast %add3A_584 : vector<1x128xf32> to vector<5000x128xf32>
      %ge3A_715 = arith.cmpf oge, %get3A_705, %ge3A_714 : vector<5000x128xf32>
      %convert_element_type3A_716 = arith.extui %ge3A_715 : vector<5000x128xi1> to vector<5000x128xi32>
      %convert_element_type3A_717 = arith.sitofp %convert_element_type3A_716 : vector<5000x128xi32> to vector<5000x128xf32>
      %reduce_sum3A_718 = arith.constant dense<0.000000e+00> : vector<128xf32>
      %reduce_sum3A_719 = vector.multi_reduction <add>, %convert_element_type3A_717, %reduce_sum3A_718 [0] : vector<5000x128xf32> to vector<128xf32>
      %broadcast_in_dim3A_720 = vector.shape_cast %reduce_sum3A_719 : vector<128xf32> to vector<1x128xf32>
      %add3A_721 = arith.addf %add3A_694, %broadcast_in_dim3A_720 : vector<1x128xf32>
      %ge3A_722 = vector.broadcast %add3A_588 : vector<1x128xf32> to vector<5000x128xf32>
      %ge3A_723 = arith.cmpf oge, %get3A_705, %ge3A_722 : vector<5000x128xf32>
      %convert_element_type3A_724 = arith.extui %ge3A_723 : vector<5000x128xi1> to vector<5000x128xi32>
      %convert_element_type3A_725 = arith.sitofp %convert_element_type3A_724 : vector<5000x128xi32> to vector<5000x128xf32>
      %reduce_sum3A_726 = arith.constant dense<0.000000e+00> : vector<128xf32>
      %reduce_sum3A_727 = vector.multi_reduction <add>, %convert_element_type3A_725, %reduce_sum3A_726 [0] : vector<5000x128xf32> to vector<128xf32>
      %broadcast_in_dim3A_728 = vector.shape_cast %reduce_sum3A_727 : vector<128xf32> to vector<1x128xf32>
      %add3A_729 = arith.addf %add3A_702, %broadcast_in_dim3A_728 : vector<1x128xf32>
      %ge3A_730 = arith.cmpf oge, %add3A_713, %sub3A_335 : vector<1x128xf32>
      %ge3A_731 = arith.cmpf oge, %add3A_721, %sub3A_335 : vector<1x128xf32>
      %ge3A_732 = arith.cmpf oge, %add3A_729, %sub3A_335 : vector<1x128xf32>
      %select_n3A_733 = arith.select %ge3A_730, %add3A_580, %scan3A_574 : vector<1x128xi1>, vector<1x128xf32>
      %select_n3A_734 = arith.select %ge3A_731, %add3A_584, %select_n3A_733 : vector<1x128xi1>, vector<1x128xf32>
      %select_n3A_735 = arith.select %ge3A_732, %add3A_588, %select_n3A_734 : vector<1x128xi1>, vector<1x128xf32>
      %not3A = arith.constant dense<true> : vector<1x128xi1>
      %not3A_736 = arith.xori %ge3A_730, %not3A : vector<1x128xi1>
      %not3A_737 = arith.constant dense<true> : vector<1x128xi1>
      %not3A_738 = arith.xori %ge3A_731, %not3A_737 : vector<1x128xi1>
      %not3A_739 = arith.constant dense<true> : vector<1x128xi1>
      %not3A_740 = arith.xori %ge3A_732, %not3A_739 : vector<1x128xi1>
      %select_n3A_741 = arith.select %not3A_740, %add3A_588, %scan3A_575 : vector<1x128xi1>, vector<1x128xf32>
      %select_n3A_742 = arith.select %not3A_738, %add3A_584, %select_n3A_741 : vector<1x128xi1>, vector<1x128xf32>
      %select_n3A_743 = arith.select %not3A_736, %add3A_580, %select_n3A_742 : vector<1x128xi1>, vector<1x128xf32>
      scf.yield %select_n3A_735, %select_n3A_743 : vector<1x128xf32>, vector<1x128xf32>
    }
    %ge3A = vector.broadcast %scan3A_343#1 : vector<1x128xf32> to vector<8x128xf32>
    %ge3A_344 = arith.cmpf oge, %transpose3A, %ge3A : vector<8x128xf32>
    %convert_element_type3A_345 = arith.extui %ge3A_344 : vector<8x128xi1> to vector<8x128xi32>
    %convert_element_type3A_346 = arith.sitofp %convert_element_type3A_345 : vector<8x128xi32> to vector<8x128xf32>
    %mul3A_347 = arith.mulf %mul3A_315, %convert_element_type3A_346 : vector<8x128xf32>
    %reduce_sum3A_348 = arith.constant dense<0.000000e+00> : vector<128xf32>
    %reduce_sum3A_349 = vector.multi_reduction <add>, %mul3A_347, %reduce_sum3A_348 [0] : vector<8x128xf32> to vector<128xf32>
    %broadcast_in_dim3A_350 = vector.shape_cast %reduce_sum3A_349 : vector<128xf32> to vector<1x128xf32>
    %neg3A = arith.constant 0.000000e+00 : f32
    %neg3A_351 = vector.broadcast %neg3A : f32 to vector<1x128xf32>
    %neg3A_352 = arith.subf %neg3A_351, %broadcast_in_dim3A_350 : vector<1x128xf32>
    %sub3A_353 = vector.broadcast %max3A_325 : vector<1x128xf32> to vector<8x128xf32>
    %sub3A_354 = arith.subf %transpose3A, %sub3A_353 : vector<8x128xf32>
    %min3A_355 = arith.constant 0.000000e+00 : f32
    %min3A_356 = vector.broadcast %min3A_355 : f32 to vector<8x128xf32>
    %min3A_357 = arith.minimumf %sub3A_354, %min3A_356 : vector<8x128xf32>
    %exp3A_358 = math.exp %min3A_357 : vector<8x128xf32>
    %mul3A_359 = arith.mulf %mul3A_347, %exp3A_358 : vector<8x128xf32>
    %reduce_sum3A_360 = arith.constant dense<0.000000e+00> : vector<128xf32>
    %reduce_sum3A_361 = vector.multi_reduction <add>, %mul3A_359, %reduce_sum3A_360 [0] : vector<8x128xf32> to vector<128xf32>
    %broadcast_in_dim3A_362 = vector.shape_cast %reduce_sum3A_361 : vector<128xf32> to vector<1x128xf32>
    %neg3A_363 = arith.constant 0.000000e+00 : f32
    %neg3A_364 = vector.broadcast %neg3A_363 : f32 to vector<1x128xf32>
    %neg3A_365 = arith.subf %neg3A_364, %broadcast_in_dim3A_362 : vector<1x128xf32>
    %get3A_366 = arith.constant 0 : index
    %get3A_367 = arith.constant 0 : index
    %get3A_368 = vector.load %arg11[%get3A_366, %get3A_367] : memref<20000x128xf32, #tpu.memory_space<vmem>>, vector<5000x128xf32>
    %ge3A_369 = vector.broadcast %scan3A_343#1 : vector<1x128xf32> to vector<5000x128xf32>
    %ge3A_370 = arith.cmpf oge, %get3A_368, %ge3A_369 : vector<5000x128xf32>
    %convert_element_type3A_371 = arith.extui %ge3A_370 : vector<5000x128xi1> to vector<5000x128xi32>
    %convert_element_type3A_372 = arith.sitofp %convert_element_type3A_371 : vector<5000x128xi32> to vector<5000x128xf32>
    %reduce_sum3A_373 = arith.constant dense<0.000000e+00> : vector<128xf32>
    %reduce_sum3A_374 = vector.multi_reduction <add>, %convert_element_type3A_372, %reduce_sum3A_373 [0] : vector<5000x128xf32> to vector<128xf32>
    %broadcast_in_dim3A_375 = vector.shape_cast %reduce_sum3A_374 : vector<128xf32> to vector<1x128xf32>
    %add3A_376 = arith.addf %neg3A_352, %broadcast_in_dim3A_375 : vector<1x128xf32>
    %sub3A_377 = vector.broadcast %max3A_325 : vector<1x128xf32> to vector<5000x128xf32>
    %sub3A_378 = arith.subf %get3A_368, %sub3A_377 : vector<5000x128xf32>
    %min3A_379 = arith.constant 0.000000e+00 : f32
    %min3A_380 = vector.broadcast %min3A_379 : f32 to vector<5000x128xf32>
    %min3A_381 = arith.minimumf %sub3A_378, %min3A_380 : vector<5000x128xf32>
    %exp3A_382 = math.exp %min3A_381 : vector<5000x128xf32>
    %jit3A_383 = arith.constant 0.000000e+00 : f32
    %broadcast_in_dim3A_384 = vector.broadcast %jit3A_383 : f32 to vector<5000x128xf32>
    %select_n3A_385 = arith.select %ge3A_370, %exp3A_382, %broadcast_in_dim3A_384 : vector<5000x128xi1>, vector<5000x128xf32>
    %reduce_sum3A_386 = arith.constant dense<0.000000e+00> : vector<128xf32>
    %reduce_sum3A_387 = vector.multi_reduction <add>, %select_n3A_385, %reduce_sum3A_386 [0] : vector<5000x128xf32> to vector<128xf32>
    %broadcast_in_dim3A_388 = vector.shape_cast %reduce_sum3A_387 : vector<128xf32> to vector<1x128xf32>
    %add3A_389 = arith.addf %neg3A_365, %broadcast_in_dim3A_388 : vector<1x128xf32>
    %get3A_390 = arith.constant 5000 : index
    %get3A_391 = arith.constant 0 : index
    %get3A_392 = vector.load %arg11[%get3A_390, %get3A_391] : memref<20000x128xf32, #tpu.memory_space<vmem>>, vector<5000x128xf32>
    %ge3A_393 = vector.broadcast %scan3A_343#1 : vector<1x128xf32> to vector<5000x128xf32>
    %ge3A_394 = arith.cmpf oge, %get3A_392, %ge3A_393 : vector<5000x128xf32>
    %convert_element_type3A_395 = arith.extui %ge3A_394 : vector<5000x128xi1> to vector<5000x128xi32>
    %convert_element_type3A_396 = arith.sitofp %convert_element_type3A_395 : vector<5000x128xi32> to vector<5000x128xf32>
    %reduce_sum3A_397 = arith.constant dense<0.000000e+00> : vector<128xf32>
    %reduce_sum3A_398 = vector.multi_reduction <add>, %convert_element_type3A_396, %reduce_sum3A_397 [0] : vector<5000x128xf32> to vector<128xf32>
    %broadcast_in_dim3A_399 = vector.shape_cast %reduce_sum3A_398 : vector<128xf32> to vector<1x128xf32>
    %add3A_400 = arith.addf %add3A_376, %broadcast_in_dim3A_399 : vector<1x128xf32>
    %sub3A_401 = vector.broadcast %max3A_325 : vector<1x128xf32> to vector<5000x128xf32>
    %sub3A_402 = arith.subf %get3A_392, %sub3A_401 : vector<5000x128xf32>
    %min3A_403 = arith.constant 0.000000e+00 : f32
    %min3A_404 = vector.broadcast %min3A_403 : f32 to vector<5000x128xf32>
    %min3A_405 = arith.minimumf %sub3A_402, %min3A_404 : vector<5000x128xf32>
    %exp3A_406 = math.exp %min3A_405 : vector<5000x128xf32>
    %jit3A_407 = arith.constant 0.000000e+00 : f32
    %broadcast_in_dim3A_408 = vector.broadcast %jit3A_407 : f32 to vector<5000x128xf32>
    %select_n3A_409 = arith.select %ge3A_394, %exp3A_406, %broadcast_in_dim3A_408 : vector<5000x128xi1>, vector<5000x128xf32>
    %reduce_sum3A_410 = arith.constant dense<0.000000e+00> : vector<128xf32>
    %reduce_sum3A_411 = vector.multi_reduction <add>, %select_n3A_409, %reduce_sum3A_410 [0] : vector<5000x128xf32> to vector<128xf32>
    %broadcast_in_dim3A_412 = vector.shape_cast %reduce_sum3A_411 : vector<128xf32> to vector<1x128xf32>
    %add3A_413 = arith.addf %add3A_389, %broadcast_in_dim3A_412 : vector<1x128xf32>
    %get3A_414 = arith.constant 10000 : index
    %get3A_415 = arith.constant 0 : index
    %get3A_416 = vector.load %arg11[%get3A_414, %get3A_415] : memref<20000x128xf32, #tpu.memory_space<vmem>>, vector<5000x128xf32>
    %ge3A_417 = vector.broadcast %scan3A_343#1 : vector<1x128xf32> to vector<5000x128xf32>
    %ge3A_418 = arith.cmpf oge, %get3A_416, %ge3A_417 : vector<5000x128xf32>
    %convert_element_type3A_419 = arith.extui %ge3A_418 : vector<5000x128xi1> to vector<5000x128xi32>
    %convert_element_type3A_420 = arith.sitofp %convert_element_type3A_419 : vector<5000x128xi32> to vector<5000x128xf32>
    %reduce_sum3A_421 = arith.constant dense<0.000000e+00> : vector<128xf32>
    %reduce_sum3A_422 = vector.multi_reduction <add>, %convert_element_type3A_420, %reduce_sum3A_421 [0] : vector<5000x128xf32> to vector<128xf32>
    %broadcast_in_dim3A_423 = vector.shape_cast %reduce_sum3A_422 : vector<128xf32> to vector<1x128xf32>
    %add3A_424 = arith.addf %add3A_400, %broadcast_in_dim3A_423 : vector<1x128xf32>
    %sub3A_425 = vector.broadcast %max3A_325 : vector<1x128xf32> to vector<5000x128xf32>
    %sub3A_426 = arith.subf %get3A_416, %sub3A_425 : vector<5000x128xf32>
    %min3A_427 = arith.constant 0.000000e+00 : f32
    %min3A_428 = vector.broadcast %min3A_427 : f32 to vector<5000x128xf32>
    %min3A_429 = arith.minimumf %sub3A_426, %min3A_428 : vector<5000x128xf32>
    %exp3A_430 = math.exp %min3A_429 : vector<5000x128xf32>
    %jit3A_431 = arith.constant 0.000000e+00 : f32
    %broadcast_in_dim3A_432 = vector.broadcast %jit3A_431 : f32 to vector<5000x128xf32>
    %select_n3A_433 = arith.select %ge3A_418, %exp3A_430, %broadcast_in_dim3A_432 : vector<5000x128xi1>, vector<5000x128xf32>
    %reduce_sum3A_434 = arith.constant dense<0.000000e+00> : vector<128xf32>
    %reduce_sum3A_435 = vector.multi_reduction <add>, %select_n3A_433, %reduce_sum3A_434 [0] : vector<5000x128xf32> to vector<128xf32>
    %broadcast_in_dim3A_436 = vector.shape_cast %reduce_sum3A_435 : vector<128xf32> to vector<1x128xf32>
    %add3A_437 = arith.addf %add3A_413, %broadcast_in_dim3A_436 : vector<1x128xf32>
    %get3A_438 = arith.constant 15000 : index
    %get3A_439 = arith.constant 0 : index
    %get3A_440 = vector.load %arg11[%get3A_438, %get3A_439] : memref<20000x128xf32, #tpu.memory_space<vmem>>, vector<5000x128xf32>
    %ge3A_441 = vector.broadcast %scan3A_343#1 : vector<1x128xf32> to vector<5000x128xf32>
    %ge3A_442 = arith.cmpf oge, %get3A_440, %ge3A_441 : vector<5000x128xf32>
    %convert_element_type3A_443 = arith.extui %ge3A_442 : vector<5000x128xi1> to vector<5000x128xi32>
    %convert_element_type3A_444 = arith.sitofp %convert_element_type3A_443 : vector<5000x128xi32> to vector<5000x128xf32>
    %reduce_sum3A_445 = arith.constant dense<0.000000e+00> : vector<128xf32>
    %reduce_sum3A_446 = vector.multi_reduction <add>, %convert_element_type3A_444, %reduce_sum3A_445 [0] : vector<5000x128xf32> to vector<128xf32>
    %broadcast_in_dim3A_447 = vector.shape_cast %reduce_sum3A_446 : vector<128xf32> to vector<1x128xf32>
    %add3A_448 = arith.addf %add3A_424, %broadcast_in_dim3A_447 : vector<1x128xf32>
    %sub3A_449 = vector.broadcast %max3A_325 : vector<1x128xf32> to vector<5000x128xf32>
    %sub3A_450 = arith.subf %get3A_440, %sub3A_449 : vector<5000x128xf32>
    %min3A_451 = arith.constant 0.000000e+00 : f32
    %min3A_452 = vector.broadcast %min3A_451 : f32 to vector<5000x128xf32>
    %min3A_453 = arith.minimumf %sub3A_450, %min3A_452 : vector<5000x128xf32>
    %exp3A_454 = math.exp %min3A_453 : vector<5000x128xf32>
    %jit3A_455 = arith.constant 0.000000e+00 : f32
    %broadcast_in_dim3A_456 = vector.broadcast %jit3A_455 : f32 to vector<5000x128xf32>
    %select_n3A_457 = arith.select %ge3A_442, %exp3A_454, %broadcast_in_dim3A_456 : vector<5000x128xi1>, vector<5000x128xf32>
    %reduce_sum3A_458 = arith.constant dense<0.000000e+00> : vector<128xf32>
    %reduce_sum3A_459 = vector.multi_reduction <add>, %select_n3A_457, %reduce_sum3A_458 [0] : vector<5000x128xf32> to vector<128xf32>
    %broadcast_in_dim3A_460 = vector.shape_cast %reduce_sum3A_459 : vector<128xf32> to vector<1x128xf32>
    %add3A_461 = arith.addf %add3A_437, %broadcast_in_dim3A_460 : vector<1x128xf32>
    %sub3A_462 = arith.subf %sub3A_335, %add3A_448 : vector<1x128xf32>
    %add3A_463 = arith.addf %scan3A_343#0, %scan3A_343#1 : vector<1x128xf32>
    %mul3A_464 = arith.constant 5.000000e-01 : f32
    %mul3A_465 = vector.broadcast %mul3A_464 : f32 to vector<1x128xf32>
    %mul3A_466 = arith.mulf %add3A_463, %mul3A_465 : vector<1x128xf32>
    %sub3A_467 = arith.subf %mul3A_466, %max3A_325 : vector<1x128xf32>
    %min3A_468 = arith.constant 0.000000e+00 : f32
    %min3A_469 = vector.broadcast %min3A_468 : f32 to vector<1x128xf32>
    %min3A_470 = arith.minimumf %sub3A_467, %min3A_469 : vector<1x128xf32>
    %exp3A_471 = math.exp %min3A_470 : vector<1x128xf32>
    %mul3A_472 = arith.mulf %sub3A_462, %exp3A_471 : vector<1x128xf32>
    %add3A_473 = arith.addf %broadcast_in_dim3A_332, %add3A_461 : vector<1x128xf32>
    %add3A_474 = arith.addf %add3A_473, %mul3A_472 : vector<1x128xf32>
    %max3A_475 = arith.constant 1.000000e-30 : f32
    %max3A_476 = vector.broadcast %max3A_475 : f32 to vector<1x128xf32>
    %max3A_477 = arith.maximumf %add3A_474, %max3A_476 : vector<1x128xf32>
    %log3A = math.log %max3A_477 : vector<1x128xf32>
    %add3A_478 = arith.addf %max3A_325, %log3A : vector<1x128xf32>
    %gt3A_479 = arith.constant 0.000000e+00 : f32
    %gt3A_480 = vector.broadcast %gt3A_479 : f32 to vector<1x128xf32>
    %gt3A_481 = arith.cmpf ogt, %broadcast_in_dim3A_318, %gt3A_480 : vector<1x128xf32>
    %mul3A_482 = arith.mulf %broadcast_in_dim3A_318, %add3A_478 : vector<1x128xf32>
    %sub3A_483 = arith.subf %broadcast_in_dim3A_322, %mul3A_482 : vector<1x128xf32>
    %neg3A_484 = arith.constant 0.000000e+00 : f32
    %neg3A_485 = vector.broadcast %neg3A_484 : f32 to vector<1x128xf32>
    %neg3A_486 = arith.subf %neg3A_485, %sub3A_483 : vector<1x128xf32>
    %max3A_487 = arith.constant 1.000000e+00 : f32
    %max3A_488 = vector.broadcast %max3A_487 : f32 to vector<1x128xf32>
    %max3A_489 = arith.maximumf %broadcast_in_dim3A_318, %max3A_488 : vector<1x128xf32>
    %div3A = arith.divf %neg3A_486, %max3A_489 : vector<1x128xf32>
    %jit3A_490 = arith.constant 0.000000e+00 : f32
    %broadcast_in_dim3A_491 = vector.broadcast %jit3A_490 : f32 to vector<1x128xf32>
    %select_n3A_492 = arith.select %gt3A_481, %div3A, %broadcast_in_dim3A_491 : vector<1x128xi1>, vector<1x128xf32>
    %get3A_493 = arith.constant 0 : index
    %get3A_494 = arith.constant 0 : index
    %get3A_495 = vector.load %arg5[%get3A_493, %get3A_494] : memref<128x128xf32, #tpu.memory_space<vmem>>, vector<128x128xf32>
    %mul3A_496 = arith.mulf %get3A_495, %get3A_7 : vector<128x128xf32>
    %reduce_sum3A_497 = arith.constant dense<0.000000e+00> : vector<128xf32>
    %reduce_sum3A_498 = vector.multi_reduction <add>, %mul3A_496, %reduce_sum3A_497 [1] : vector<128x128xf32> to vector<128xf32>
    %broadcast_in_dim3A_499 = vector.shape_cast %reduce_sum3A_498 : vector<128xf32> to vector<128x1xf32>
    %transpose3A_500 = tpu.transpose %broadcast_in_dim3A_499, [1, 0] : vector<128x1xf32> -> vector<1x128xf32>
    %mul3A_501 = arith.constant 14.2857141 : f32
    %mul3A_502 = vector.broadcast %mul3A_501 : f32 to vector<1x128xf32>
    %mul3A_503 = arith.mulf %transpose3A_500, %mul3A_502 : vector<1x128xf32>
    %broadcast_in_dim3A_504 = arith.constant -1.000000e+30 : f32
    %broadcast_in_dim3A_505 = vector.broadcast %broadcast_in_dim3A_504 : f32 to vector<1x128xf32>
    %broadcast_in_dim3A_506 = arith.constant 0.000000e+00 : f32
    %broadcast_in_dim3A_507 = vector.broadcast %broadcast_in_dim3A_506 : f32 to vector<1x128xf32>
    %get3A_508 = arith.constant 0 : index
    %get3A_509 = arith.constant 0 : index
    %get3A_510 = vector.load %arg7[%get3A_508, %get3A_509] : memref<10000x128xf32, #tpu.memory_space<vmem>>, vector<5000x128xf32>
    %dot_general3A_511 = arith.constant dense<0.000000e+00> : vector<5000x128xf32>
    %dot_general3A_512 = tpu.matmul %get3A_510, %get3A_1, %dot_general3A_511 {dimension_numbers = #tpu.dot_dimension_numbers<[1], [0], [0], [1], [0, 0, 1, 1], [], []>, transpose_lhs_hint = false} : vector<5000x128xf32>, vector<128x128xf32>, vector<5000x128xf32> -> vector<5000x128xf32>
    %mul3A_513 = arith.constant 14.2857141 : f32
    %mul3A_514 = vector.broadcast %mul3A_513 : f32 to vector<5000x128xf32>
    %mul3A_515 = arith.mulf %dot_general3A_512, %mul3A_514 : vector<5000x128xf32>
    %reduce_max3A_516 = arith.constant dense<0xFF800000> : vector<128xf32>
    %reduce_max3A_517 = vector.multi_reduction <maximumf>, %mul3A_515, %reduce_max3A_516 [0] : vector<5000x128xf32> to vector<128xf32>
    %broadcast_in_dim3A_518 = vector.shape_cast %reduce_max3A_517 : vector<128xf32> to vector<1x128xf32>
    %max3A_519 = arith.maximumf %broadcast_in_dim3A_505, %broadcast_in_dim3A_518 : vector<1x128xf32>
    %sub3A_520 = arith.subf %broadcast_in_dim3A_505, %max3A_519 : vector<1x128xf32>
    %min3A_521 = arith.constant 0.000000e+00 : f32
    %min3A_522 = vector.broadcast %min3A_521 : f32 to vector<1x128xf32>
    %min3A_523 = arith.minimumf %sub3A_520, %min3A_522 : vector<1x128xf32>
    %exp3A_524 = math.exp %min3A_523 : vector<1x128xf32>
    %mul3A_525 = arith.mulf %broadcast_in_dim3A_507, %exp3A_524 : vector<1x128xf32>
    %sub3A_526 = vector.broadcast %max3A_519 : vector<1x128xf32> to vector<5000x128xf32>
    %sub3A_527 = arith.subf %mul3A_515, %sub3A_526 : vector<5000x128xf32>
    %min3A_528 = arith.constant 0.000000e+00 : f32
    %min3A_529 = vector.broadcast %min3A_528 : f32 to vector<5000x128xf32>
    %min3A_530 = arith.minimumf %sub3A_527, %min3A_529 : vector<5000x128xf32>
    %exp3A_531 = math.exp %min3A_530 : vector<5000x128xf32>
    %reduce_sum3A_532 = arith.constant dense<0.000000e+00> : vector<128xf32>
    %reduce_sum3A_533 = vector.multi_reduction <add>, %exp3A_531, %reduce_sum3A_532 [0] : vector<5000x128xf32> to vector<128xf32>
    %broadcast_in_dim3A_534 = vector.shape_cast %reduce_sum3A_533 : vector<128xf32> to vector<1x128xf32>
    %add3A_535 = arith.addf %mul3A_525, %broadcast_in_dim3A_534 : vector<1x128xf32>
    %get3A_536 = arith.constant 5000 : index
    %get3A_537 = arith.constant 0 : index
    %get3A_538 = vector.load %arg7[%get3A_536, %get3A_537] : memref<10000x128xf32, #tpu.memory_space<vmem>>, vector<5000x128xf32>
    %dot_general3A_539 = arith.constant dense<0.000000e+00> : vector<5000x128xf32>
    %dot_general3A_540 = tpu.matmul %get3A_538, %get3A_1, %dot_general3A_539 {dimension_numbers = #tpu.dot_dimension_numbers<[1], [0], [0], [1], [0, 0, 1, 1], [], []>, transpose_lhs_hint = false} : vector<5000x128xf32>, vector<128x128xf32>, vector<5000x128xf32> -> vector<5000x128xf32>
    %mul3A_541 = arith.constant 14.2857141 : f32
    %mul3A_542 = vector.broadcast %mul3A_541 : f32 to vector<5000x128xf32>
    %mul3A_543 = arith.mulf %dot_general3A_540, %mul3A_542 : vector<5000x128xf32>
    %reduce_max3A_544 = arith.constant dense<0xFF800000> : vector<128xf32>
    %reduce_max3A_545 = vector.multi_reduction <maximumf>, %mul3A_543, %reduce_max3A_544 [0] : vector<5000x128xf32> to vector<128xf32>
    %broadcast_in_dim3A_546 = vector.shape_cast %reduce_max3A_545 : vector<128xf32> to vector<1x128xf32>
    %max3A_547 = arith.maximumf %max3A_519, %broadcast_in_dim3A_546 : vector<1x128xf32>
    %sub3A_548 = arith.subf %max3A_519, %max3A_547 : vector<1x128xf32>
    %min3A_549 = arith.constant 0.000000e+00 : f32
    %min3A_550 = vector.broadcast %min3A_549 : f32 to vector<1x128xf32>
    %min3A_551 = arith.minimumf %sub3A_548, %min3A_550 : vector<1x128xf32>
    %exp3A_552 = math.exp %min3A_551 : vector<1x128xf32>
    %mul3A_553 = arith.mulf %add3A_535, %exp3A_552 : vector<1x128xf32>
    %sub3A_554 = vector.broadcast %max3A_547 : vector<1x128xf32> to vector<5000x128xf32>
    %sub3A_555 = arith.subf %mul3A_543, %sub3A_554 : vector<5000x128xf32>
    %min3A_556 = arith.constant 0.000000e+00 : f32
    %min3A_557 = vector.broadcast %min3A_556 : f32 to vector<5000x128xf32>
    %min3A_558 = arith.minimumf %sub3A_555, %min3A_557 : vector<5000x128xf32>
    %exp3A_559 = math.exp %min3A_558 : vector<5000x128xf32>
    %reduce_sum3A_560 = arith.constant dense<0.000000e+00> : vector<128xf32>
    %reduce_sum3A_561 = vector.multi_reduction <add>, %exp3A_559, %reduce_sum3A_560 [0] : vector<5000x128xf32> to vector<128xf32>
    %broadcast_in_dim3A_562 = vector.shape_cast %reduce_sum3A_561 : vector<128xf32> to vector<1x128xf32>
    %add3A_563 = arith.addf %mul3A_553, %broadcast_in_dim3A_562 : vector<1x128xf32>
    %log3A_564 = math.log %add3A_563 : vector<1x128xf32>
    %add3A_565 = arith.addf %max3A_547, %log3A_564 : vector<1x128xf32>
    %add3A_566 = arith.addf %select_n3A_492, %add3A_565 : vector<1x128xf32>
    %sub3A_567 = arith.subf %add3A_566, %mul3A_503 : vector<1x128xf32>
    %reshape3A_568 = vector.shape_cast %sub3A_567 : vector<1x128xf32> to vector<1x1x128xf32>
    %swap3A_569 = arith.constant 0 : index
    %swap3A_570 = arith.constant 0 : index
    %swap3A_571 = arith.constant 0 : index
    %swap3A_572 = vector.load %arg10[%swap3A_569, %swap3A_570, %swap3A_571] : memref<1x1x128xf32, #tpu.memory_space<vmem>>, vector<1x1x128xf32>
    tpu.vector_store %arg10[%swap3A_569, %swap3A_570, %swap3A_571], %reshape3A_568 {strides = array<i32>} : memref<1x1x128xf32, #tpu.memory_space<vmem>>, vector<1x1x128xf32>,
    return
  }
  func.func @transform_0(%arg0: i32) -> (i32, i32) {
    %c0_i32 = arith.constant 0 : i32
    %c0_i32_0 = arith.constant 0 : i32
    return %c0_i32, %arg0 : i32, i32
  }
  func.func @transform_1(%arg0: i32) -> (i32, i32) {
    %c0_i32 = arith.constant 0 : i32
    %c0_i32_0 = arith.constant 0 : i32
    return %arg0, %c0_i32 : i32, i32
  }
  func.func @transform_2(%arg0: i32) -> (i32, i32) {
    %c0_i32 = arith.constant 0 : i32
    %c0_i32_0 = arith.constant 0 : i32
    return %arg0, %c0_i32 : i32, i32
  }
  func.func @transform_3(%arg0: i32) -> (i32, i32) {
    %c0_i32 = arith.constant 0 : i32
    %c0_i32_0 = arith.constant 0 : i32
    return %c0_i32, %arg0 : i32, i32
  }
  func.func @transform_4(%arg0: i32) -> (i32, i32) {
    %c0_i32 = arith.constant 0 : i32
    %c0_i32_0 = arith.constant 0 : i32
    return %arg0, %c0_i32 : i32, i32
  }
  func.func @transform_5(%arg0: i32) -> (i32, i32) {
    %c0_i32 = arith.constant 0 : i32
    %c0_i32_0 = arith.constant 0 : i32
    %c0_i32_1 = arith.constant 0 : i32
    return %c0_i32, %c0_i32_0 : i32, i32
  }
  func.func @transform_6(%arg0: i32) -> (i32, i32) {
    %c0_i32 = arith.constant 0 : i32
    %c0_i32_0 = arith.constant 0 : i32
    %c0_i32_1 = arith.constant 0 : i32
    return %c0_i32, %c0_i32_0 : i32, i32
  }
  func.func @transform_7(%arg0: i32) -> (i32, i32) {
    %c0_i32 = arith.constant 0 : i32
    %c0_i32_0 = arith.constant 0 : i32
    return %c0_i32, %arg0 : i32, i32
  }
  func.func @transform_8(%arg0: i32) -> (i32, i32) {
    %c0_i32 = arith.constant 0 : i32
    %c0_i32_0 = arith.constant 0 : i32
    %c0_i32_1 = arith.constant 0 : i32
    return %c0_i32, %c0_i32_0 : i32, i32
  }
  func.func @transform_9(%arg0: i32) -> (i32, i32, i32) {
    %c0_i32 = arith.constant 0 : i32
    %c0_i32_0 = arith.constant 0 : i32
    %c0_i32_1 = arith.constant 0 : i32
    return %arg0, %c0_i32, %c0_i32_0 : i32, i32, i32
  }
}

</mosaic_0001>

<sc_bundles>
// kernel: kernel.4.cloned.1.call-start
scs
__scs_entry_jumppad:
0x0: {  	(pc) =	sbr.rel $0x88, $3  }
0x1: {  	(tag) =	ssettag $0x0;
	lr =	simm.s32 $0x1  }
0x2: {  	[smem:$0x3F9A] =	sst lr;
	_ =	strace $0xD0000000  }
0x3: {  	_ = 	snop  }
0x4: {  	_ = 	snop  }
0x5: {  	_ = 	snop  }
0x6: {  	_ = 	snop  }
0x7: {  	_ = 	snop  }
__scs_overlays_trampoline_lowered:
0x8: {  	[smem:$0x3FA9] =	sst s0  }
0x9: {  	[smem:$0x3FAA] =	sst s1  }
0xa: {  	[smem:$0x3FAB] =	sst s2  }
0xb: {  	[smem:$0x3FAC] =	sst s3  }
0xc: {  	[smem:$0x3FAD] =	sst s4  }
0xd: {  	[smem:$0x3FAE] =	sst s5  }
0xe: {  	[smem:$0x3FAF] =	sst s6  }
0xf: {  	[smem:$0x3FB0] =	sst s7  }
0x10: {  	[smem:$0x3FB1] =	sst s8  }
0x11: {  	[smem:$0x3FB2] =	sst s9;
	s0 =	simm.s32 @!p0 $0x0  }
0x12: {  	s1 =	sld [smem:$0x3F98];
	s0 =	simm.s32 @p0 $0x1  }
0x13: {  	[smem:$0x3FB3] =	sst s0;
	s0 =	simm.s32 @!p1 $0x0  }
0x14: {  	s2 =	sld [smem:$0x3F97];
	s0 =	simm.s32 @p1 $0x1  }
0x15: {  	[smem:$0x3FB4] =	sst s0;
	s0 =	simm.s32 @!p2 $0x0  }
0x16: {  	s3 =	sld [smem:$0x3FDB];
	s0 =	simm.s32 @p2 $0x1  }
0x17: {  	s4 =	simm.s32 $0x1BF5;
	[smem:$0x3FB6] =	sst s0  }
0x18: {  	s0 =	sld [smem:$0x3F99];
	_ =	swait.ge [sflag:s4], $0x0  }
0x19: {  	s7 =	sld [smem:$0x3F9A]  }
0x1a: {  	s8 =	sadd.s32 $0xFFFFE003, lr  }
0x1b: {  	s9 =	sadd.s32 $0xFFFFFEF7, lr;
	s5 =	simm.s32 $0xFFFFFFFF;
	p2 =	slt.u32 s8, $0xFFFFF086  }
0x1c: {  	p1 =	slt.u32 s9, $0xF7A;
	s5 =	simm.s32 @!p2 $0x0  }
0x1d: {  	s5 =	simm.s32 @p1 $0x1;
	p0 =	seq.s32 s7, s2  }
0x1e: {  	s7 =	smul.u32 @!p0 $0xF7A, s2;
	p2 =	seq.s32 @!p0 s5, $0x0  }
0x1f: {  	s9 =	smul.u32 $0xF7A, s1;
	s8 =	simm.s32 @!p0 $0x1BF5;
	p2 =	por !p2, p0  }
0x20: {  	[sflag:s8] =	ssyncset.s32 @!p0 $0xFFFFF086;
	s6 =	sadd.s32 @!p0 s3, s7;
	s7 =	simm.s32 @!p0 $0x108  }
0x21: {  	s3 =	sadd.s32 s3, s9;
	s6 =	sadd.s32 @!p0 $0x88, s6;
	s7 =	simm.s32 @p2 $0x1082  }
0x22: {  	[simem:s7], [sflag:s8] =	dma.local @!p0 [hbm:s6], $0xF7A  }
0x23: {  	s9 =	sor.u32 $0xD0000000, s2;
	s6 =	simm.s32 $0x108;
	_ =	swait.ge @!p0 [sflag:s8], $0x0  }
0x24: {  	s3 =	sadd.s32 $0x88, s3;
	s6 =	simm.s32 @!p1 $0x1082;
	[sflag:s4] =	ssyncset.s32 $0xFFFFF086  }
0x25: {  	[simem:s6], [sflag:s4] =	dma.local [hbm:s3], $0xF7A  }
0x26: {  	[smem:$0x3F9A] =	sst s1;
	(tag) =	ssettag s2;
	_ =	strace s9  }
0x27: {  	s1 =	sld [smem:$0x3FAA]  }
0x28: {  	s2 =	sld [smem:$0x3FAB]  }
0x29: {  	s4 =	sld [smem:$0x3FAD]  }
0x2a: {  	p0 =	seq.s32 s5, $0x0;
	s5 =	sld [smem:$0x3FAE]  }
0x2b: {  	s6 =	sld [smem:$0x3FAF]  }
0x2c: {  	s7 =	sld [smem:$0x3FB0]  }
0x2d: {  	s3 =	simm.s32 $0x108;
	s8 =	sld [smem:$0x3FB1]  }
0x2e: {  	s3 =	simm.s32 @!p0 $0x1082;
	s9 =	sld [smem:$0x3FB2]  }
0x2f: {  	lr =	sadd.s32 s0, s3;
	s0 =	sld [smem:$0x3FA9]  }
0x30: {  	s3 =	sld [smem:$0x3FAC]  }
0x31: {  	[smem:$0x3FB5] =	sst s10  }
0x32: {  	s10 =	sld [smem:$0x3FB3];
	_ =	sdelay $0x3  }
0x33: {  	p0 =	seq.s32 s10, $0x1;
	s10 =	sld [smem:$0x3FB5];
	_ =	sdelay $0x3  }
0x34: {  	[smem:$0x3FB5] =	sst s10  }
0x35: {  	s10 =	sld [smem:$0x3FB4];
	_ =	sdelay $0x3  }
0x36: {  	p1 =	seq.s32 s10, $0x1;
	s10 =	sld [smem:$0x3FB5];
	_ =	sdelay $0x3  }
0x37: {  	[smem:$0x3FB5] =	sst s10  }
0x38: {  	s10 =	sld [smem:$0x3FB6]  }
0x39: {  	_ = 	snop;
	(pc) =	sbr.ind lr, $3  }
0x3a: {  	_ = 	snop  }
0x3b: {  	_ = 	snop  }
0x3c: {  	p2 =	seq.s32 s10, $0x1;
	s10 =	sld [smem:$0x3FB5]  }
0x3d: {  	_ =	shalt  }
0x3e: {  	_ =	shalt  }
0x3f: {  	_ =	shalt  }
0x40: {  	_ =	shalt  }
0x41: {  	_ =	shalt  }
0x42: {  	_ =	shalt  }
0x43: {  	_ =	shalt  }
0x44: {  	_ =	shalt  }
0x45: {  	_ =	shalt  }
0x46: {  	_ =	shalt  }
0x47: {  	_ =	shalt  }
0x48: {  	_ =	shalt  }
0x49: {  	_ =	shalt  }
0x4a: {  	_ =	shalt  }
0x4b: {  	_ =	shalt  }
0x4c: {  	_ =	shalt  }
0x4d: {  	_ =	shalt  }
0x4e: {  	_ =	shalt  }
0x4f: {  	_ =	shalt  }
0x50: {  	_ =	shalt  }
0x51: {  	_ =	shalt  }
0x52: {  	_ =	shalt  }
0x53: {  	_ =	shalt  }
0x54: {  	_ =	shalt  }
0x55: {  	_ =	shalt  }
0x56: {  	_ =	shalt  }
0x57: {  	_ =	shalt  }
0x58: {  	_ =	shalt  }
0x59: {  	_ =	shalt  }
0x5a: {  	_ =	shalt  }
0x5b: {  	_ =	shalt  }
0x5c: {  	_ =	shalt  }
0x5d: {  	_ =	shalt  }
0x5e: {  	_ =	shalt  }
0x5f: {  	_ =	shalt  }
0x60: {  	_ =	shalt  }
0x61: {  	_ =	shalt  }
0x62: {  	_ =	shalt  }
0x63: {  	_ =	shalt  }
0x64: {  	_ =	shalt  }
0x65: {  	_ =	shalt  }
0x66: {  	_ =	shalt  }
0x67: {  	_ =	shalt  }
0x68: {  	_ =	shalt  }
0x69: {  	_ =	shalt  }
0x6a: {  	_ =	shalt  }
0x6b: {  	_ =	shalt  }
0x6c: {  	_ =	shalt  }
0x6d: {  	_ =	shalt  }
0x6e: {  	_ =	shalt  }
0x6f: {  	_ =	shalt  }
0x70: {  	_ =	shalt  }
0x71: {  	_ =	shalt  }
0x72: {  	_ =	shalt  }
0x73: {  	_ =	shalt  }
0x74: {  	_ =	shalt  }
0x75: {  	_ =	shalt  }
0x76: {  	_ =	shalt  }
0x77: {  	_ =	shalt  }
0x78: {  	_ =	shalt  }
0x79: {  	_ =	shalt  }
0x7a: {  	_ =	shalt  }
0x7b: {  	_ =	shalt  }
0x7c: {  	_ =	shalt  }
0x7d: {  	_ =	shalt  }
0x7e: {  	_ =	shalt  }
0x7f: {  	_ =	shalt  }
0x80: {  	_ =	shalt  }
0x81: {  	_ =	shalt  }
0x82: {  	_ =	shalt  }
0x83: {  	_ =	shalt  }
0x84: {  	_ =	shalt  }
0x85: {  	_ =	shalt  }
0x86: {  	_ =	shalt  }
0x87: {  	_ =	shalt  }
.Lfunc_end0:
.L_simem_size_0:
called_computation_lowered:
.L_overlay_start_0:
0x88: {  	s2 =	sld [smem:$0x3FD9]  }
0x89: {  	s3 =	sld [smem:$0x3FFE];
	_ =	sdelay $0x1  }
0x8a: {  	s1 =	srdreg.scid  }
0x8b: {  	s0 =	sand.u32 $0x1, s1  }
0x8c: {  	s17 =	sshll.u32 s0, $0xA;
	s2 =	sadd.s32 s3, s2  }
0x8d: {  	s2 =	sadd.s32 s2, s17  }
0x8e: {  	[smem:$0x3FC1] =	sst s2  }
0x8f: {  	_ = 	snop  }
0x90: {  	s2 =	sld [smem:$0x3FC7]  }
0x91: {  	s18 =	sld [smem:$0x3FC6]  }
0x92: {  	s4 =	sld [smem:$0x3FC5];
	(tm) =	ssettm $0x1  }
0x93: {  	s5 =	sld [smem:$0x3FFB];
	_ =	sdelay $0x3  }
0x94: {  	_ =	strace s5  }
0x95: {  	s5 =	sld [smem:$0x3FFC];
	_ =	sdelay $0x3  }
0x96: {  	_ =	strace s5  }
0x97: {  	s5 =	sld [smem:$0x3FFD];
	_ =	sdelay $0x3  }
0x98: {  	_ =	strace s5  }
0x99: {  	_ =	strace $0x8FFFFFFF  }
0x9a: {  	s19 =	sld [smem:$0x3FDB];
	_ =	sdelay $0x1  }
0x9b: {  	s6 =	simm.s32 $_scs_section_size  }
0x9c: {  	s7 =	simm.s32 $_size__tile_overlayer_lowered;
	s8 =	simm.s32 $_tile_overlayer_lowered  }
0x9d: {  	s22 =	simm.s32 $0x1BFF;
	s21 =	sshll.u32 s8, $0x1;
	s5 =	sadd.s32 s6, s19  }
0x9e: {  	s9 =	simm.s32 $0x0;
	s20 =	sshll.u32 s7, $0x1;
	s7 =	sadd.s32 s21, s5  }
0x9f: {  	[timem:s9], [sflag:s22] =	dma.local [hbm:s7], s20  }
0xa0: {  	_ =	swait.ge [sflag:s22], s20  }
0xa1: {  	s6 =	ssub.s32 $0x0, s20;
	[sflag:s22] =	ssyncset.done $0x0  }
0xa2: {  	[sflag:s22] =	ssyncadd.s32 s6;
	_ =	sdelay $0x1  }
0xa3: {  	s23 =	simm.s32 $0x1B8B  }
0xa4: {  	_ =	swait.ge [sflag:s23], $0x1  }
0xa5: {  	[sflag:s23] =	ssyncset.done $0x0  }
0xa6: {  	s25 =	simm.s32 $0x1B8E;
	s24 =	sld [smem:$0x3FFE];
	[sflag:s23] =	ssyncadd.s32 $0xFFFFFFFF  }
0xa7: {  	s26 =	simm.s32 $execute0_lowered;
	[smem:$0x3FD2] =	sst s25  }
0xa8: {  	s7 =	sshll.u32 s26, $0x1;
	_ =	strace $0x80000046;
	[dreg:$0x1] =	wrdreg $0xFFFFFFFF  }
0xa9: {  	s28 =	simm.s32 $_size_execute0_lowered;
	s5 =	sadd.s32 s5, s7;
	[dreg:$0x0] =	wrdreg $0x0  }
0xaa: {  	s7 =	sshll.u32 s28, $0x1;
	[dreg:$0x2] =	wrdreg s5  }
0xab: {  	[dreg:$0x3] =	wrdreg s7  }
0xac: {  	[dreg:$0x4] =	wrdreg $0xC0  }
0xad: {  	_ =	task [dreg:s9], $0x5FFFF  }
0xae: {  	[dreg:$0x1] =	wrdreg $0xFFFFFFFF  }
0xaf: {  	[dreg:$0x0] =	wrdreg $0x60  }
0xb0: {  	[dreg:$0x2] =	wrdreg s18  }
0xb1: {  	[dreg:$0x3] =	wrdreg s24  }
0xb2: {  	[dreg:$0x4] =	wrdreg s4  }
0xb3: {  	[dreg:$0x5] =	wrdreg s2  }
0xb4: {  	[dreg:$0x6] =	wrdreg $0x9  }
0xb5: {  	_ =	task.clear_ibuf [dreg:s9], $0x7FFFF;
	_ =	strace $0x90000046  }
0xb6: {  	s29 =	simm.s32 $0x9;
	_ =	strace $0x80000048  }
0xb7: {  	_ =	swait.ge [sflag:s29], $0x1  }
0xb8: {  	[sflag:s29] =	ssyncadd.s32 $0xFFFFFFFF  }
0xb9: {  	_ =	strace $0x90000048  }
0xba: {  	_ =	sfence  }
0xbb: {  	s30 =	sld [smem:$0x0];
	_ =	sdelay $0x2  }
0xbc: {  	s31 =	sshll.u32 s1, $0xD;
	s1 =	sshrl.u32 s1, $0x2  }
0xbd: {  	s3 =	sand.u32 $0x4000, s31;
	s1 =	sadd.s32 s1, s30  }
0xbe: {  	s0 =	sor.u32 s3, s0;
	s1 =	sshll.u32 s1, $0x11  }
0xbf: {  	s0 =	sor.u32 s1, s0  }
0xc0: {  	s0 =	sadd.s32 $0x8F2B, s0  }
0xc1: {  	[sflag:s0] =	ssyncadd.remote.s32 $0x1  }
0xc2: {  	_ =	sfence.sel $0xFFFF  }
0xc3: {  	[dreg:$0x0] =	wrdreg $0xFFFFFFFF;
	(pc) =	sbr.abs _section_cstart, $3  }
0xc4: {  	[dreg:$0x1] =	wrdreg $0xFFFFFFFF  }
0xc5: {  	_ =	task.clear_ibuf [dreg:s9], $0x2FFFF;
	_ =	strace $0x9FFFFFFF  }
0xc6: {  	(tm) =	ssettm $0x7FFFFFFF  }
0xc7: {  	_ =	shalt  }
tec
execute0_lowered:
.L_overlay_start_1:
0x0: {  	(tag) =	ssettag $0x1  }
0x1: {  	s1 =	rddreg [dreg:$0x0]  }
0x2: {  	s17 =	rddreg [dreg:$0x1]  }
0x3: {  	s2 =	srdreg.scid;
	s0 =	stileid.u32  }
0x4: {  	s3 =	rddreg [dreg:$0x2];
	s15 =	sand.u32 $0x1, s2;
	s30 =	sshll.u32 s0, $0x1  }
0x5: {  	s13 =	rddreg [dreg:$0x3];
	s18 =	sor.u32 s15, s30  }
0x6: {  	s4 =	simm.s32 $0x0;
	s2 =	rddreg [dreg:$0x4];
	s5 =	sshll.u32 s18, $0x5  }
0x7: {  	[smem:$0x7FF] =	sst s4;
	s12 =	sadd.s32 s5, s17  }
0x8: {  	_ =	strace $0x80000047;
	s5 =	simm.s32 $0x2;
	s6 =	sadd.s32 $0x1000, s12  }
0x9: {  	[tilespmem:s4], [sflag:$0x2] =	stream.linear.gather [hbm4b:s6+s4], $0x100, $0x38;
	[tilespmem:$0x9280] =	vst v63  }
0xa: {  	_ =	swait.ge [sflag:s5], $0x100  }
0xb: {  	[sflag:s5] =	ssyncset.done $0x0  }
0xc: {  	s7 =	simm.s32 $0x100;
	s8 =	simm.s32 $0x1;
	[sflag:s5] =	ssyncadd.s32 $0xFFFFFF00  }
0xd: {  	[tilespmem:s7], [sflag:$0x1] =	stream.indirect.gather [hbm4b:s1+s7], $0x80, s4, s7, $0xb8;
	[tilespmem:$0x9280] =	vst v63  }
0xe: {  	s9 =	sshll.u32 s18, $0xC;
	_ =	swait.ge [sflag:s8], $0x8000  }
0xf: {  	s9 =	sadd.s32 s9, s17;
	[sflag:s8] =	ssyncset.done $0x0  }
0x10: {  	s9 =	sadd.s32 $0x2200, s9;
	[sflag:s8] =	ssyncadd.s32 $0xFFFF8000  }
0x11: {  	[hbm4b:s9+s4] =	stream.linear.scatter [tilespmem:s7], [sflag:$0x2], $0x8000, $0x38;
	[tilespmem:$0x9280] =	vst v63  }
0x12: {  	_ =	swait.ge [sflag:s5], $0x8000  }
0x13: {  	[sflag:s5] =	ssyncset.done $0x0  }
0x14: {  	s11 =	simm.s32 $0x8100;
	s10 =	sadd.s32 $0x1400, s17;
	[sflag:s5] =	ssyncadd.s32 $0xFFFF8000  }
0x15: {  	[tilespmem:s11], [sflag:$0x1] =	stream.indirect.gather [hbm4b:s10+s7], $0x1, s4, s7, $0xb8;
	[tilespmem:$0x9280] =	vst v63  }
0x16: {  	_ =	swait.ge [sflag:s8], $0x100  }
0x17: {  	[sflag:s8] =	ssyncset.done $0x0  }
0x18: {  	s12 =	sadd.s32 $0x1E00, s12;
	[sflag:s8] =	ssyncadd.s32 $0xFFFFFF00  }
0x19: {  	[hbm4b:s12+s4] =	stream.linear.scatter [tilespmem:s11], [sflag:$0x2], $0x100, $0x38;
	[tilespmem:$0x9280] =	vst v63  }
0x1a: {  	s16 =	simm.s32 $0x8280;
	_ =	swait.ge [sflag:s5], $0x100  }
0x1b: {  	s19 =	ssub.s32 $0x2, s15;
	s14 =	sshll.u32 s18, $0x2;
	[sflag:s5] =	ssyncset.done $0x0  }
0x1c: {  	s13 =	sadd.s32 s13, s14;
	s14 =	simm.s32 $0x8200;
	[sflag:s5] =	ssyncadd.s32 $0xFFFFFF00  }
0x1d: {  	[tilespmem:s14], [sflag:$0x2] =	stream.linear.gather [hbm4b:s13+s4], $0x20, $0x38;
	[tilespmem:$0x9280] =	vst v63  }
0x1e: {  	s15 =	simm.s32 $0x20;
	s20 =	sshrl.u32 s19, $0x1;
	_ =	swait.ge [sflag:s5], $0x20  }
0x1f: {  	s18 =	sshll.u32 s18, $0x9;
	s31 =	ssub.s32 s19, s20;
	[sflag:s5] =	ssyncset.done $0x0  }
0x20: {  	s17 =	sadd.s32 s18, s17;
	s18 =	smax.u32 s31, $0x1;
	[sflag:s5] =	ssyncadd.s32 $0xFFFFFFE0  }
0x21: {  	[tilespmem:s16], [sflag:$0x1] =	stream.indirect.gather [hbm4b:s3+s15], $0x80, s14, s15, $0xb8;
	[tilespmem:$0x9280] =	vst v63  }
0x22: {  	p0 =	sne.s32 s18, $0x1;
	_ =	swait.ge [sflag:s8], $0x1000  }
.Ltmp0:
0x23: {  	[sflag:s8] =	ssyncset.done $0x0;
	(pc) =	sbr.rel @!p0 .LBB2_2-.Ltmp0, $4  }
0x24: {  	s17 =	sadd.s32 $0x22200, s17;
	[sflag:s8] =	ssyncadd.s32 $0xFFFFF000  }
0x25: {  	[hbm4b:s17+s4] =	stream.linear.scatter [tilespmem:s16], [sflag:$0x2], $0x1000, $0x38;
	[tilespmem:$0x9280] =	vst v63  }
0x26: {  	_ =	swait.ge [sflag:s5], $0x1000  }
0x27: {  	s18 =	sadd.s32 $0xFFFFFFFF, s18;
	[sflag:s5] =	ssyncset.done $0x0  }
.LBB2_1:
0x28: {  	p0 =	sne.s32 s18, $0x1;
	s18 =	sadd.s32 $0xFFFFFFFF, s18;
	[sflag:s5] =	ssyncadd.s32 $0xFFFFF000  }
0x29: {  	[tilespmem:s4], [sflag:$0x2] =	stream.linear.gather [hbm4b:s6+s4], $0x100, $0x38;
	[tilespmem:$0x9280] =	vst v63  }
0x2a: {  	_ =	swait.ge [sflag:s5], $0x100  }
0x2b: {  	[sflag:s5] =	ssyncset.done $0x0  }
0x2c: {  	[sflag:s5] =	ssyncadd.s32 $0xFFFFFF00  }
0x2d: {  	[tilespmem:s7], [sflag:$0x1] =	stream.indirect.gather [hbm4b:s1+s7], $0x80, s4, s7, $0xb8;
	[tilespmem:$0x9280] =	vst v63  }
0x2e: {  	_ =	swait.ge [sflag:s8], $0x8000  }
0x2f: {  	[sflag:s8] =	ssyncset.done $0x0  }
0x30: {  	[sflag:s8] =	ssyncadd.s32 $0xFFFF8000  }
0x31: {  	[hbm4b:s9+s4] =	stream.linear.scatter [tilespmem:s7], [sflag:$0x2], $0x8000, $0x38;
	[tilespmem:$0x9280] =	vst v63  }
0x32: {  	_ =	swait.ge [sflag:s5], $0x8000  }
0x33: {  	[sflag:s5] =	ssyncset.done $0x0  }
0x34: {  	[sflag:s5] =	ssyncadd.s32 $0xFFFF8000  }
0x35: {  	[tilespmem:s11], [sflag:$0x1] =	stream.indirect.gather [hbm4b:s10+s7], $0x1, s4, s7, $0xb8;
	[tilespmem:$0x9280] =	vst v63  }
0x36: {  	_ =	swait.ge [sflag:s8], $0x100  }
0x37: {  	[sflag:s8] =	ssyncset.done $0x0  }
0x38: {  	[sflag:s8] =	ssyncadd.s32 $0xFFFFFF00  }
0x39: {  	[hbm4b:s12+s4] =	stream.linear.scatter [tilespmem:s11], [sflag:$0x2], $0x100, $0x38;
	[tilespmem:$0x9280] =	vst v63  }
0x3a: {  	_ =	swait.ge [sflag:s5], $0x100  }
0x3b: {  	[sflag:s5] =	ssyncset.done $0x0  }
0x3c: {  	[sflag:s5] =	ssyncadd.s32 $0xFFFFFF00  }
0x3d: {  	[tilespmem:s14], [sflag:$0x2] =	stream.linear.gather [hbm4b:s13+s4], $0x20, $0x38;
	[tilespmem:$0x9280] =	vst v63  }
0x3e: {  	_ =	swait.ge [sflag:s5], $0x20  }
0x3f: {  	[sflag:s5] =	ssyncset.done $0x0  }
0x40: {  	[sflag:s5] =	ssyncadd.s32 $0xFFFFFFE0  }
0x41: {  	[tilespmem:s16], [sflag:$0x1] =	stream.indirect.gather [hbm4b:s3+s15], $0x80, s14, s15, $0xb8;
	[tilespmem:$0x9280] =	vst v63  }
0x42: {  	_ =	swait.ge [sflag:s8], $0x1000  }
.Ltmp1:
0x43: {  	[sflag:s8] =	ssyncset.done $0x0;
	(pc) =	sbr.rel @p0 .LBB2_1-.Ltmp1, $4  }
0x44: {  	[sflag:s8] =	ssyncadd.s32 $0xFFFFF000  }
0x45: {  	[hbm4b:s17+s4] =	stream.linear.scatter [tilespmem:s16], [sflag:$0x2], $0x1000, $0x38;
	[tilespmem:$0x9280] =	vst v63  }
0x46: {  	_ =	swait.ge [sflag:s5], $0x1000  }
0x47: {  	[sflag:s5] =	ssyncset.done $0x0  }
.LBB2_2:
0x48: {  	[sflag:s5] =	ssyncadd.s32 $0xFFFFF000  }
0x49: {  	_ =	sfence.sel $0x180000  }
0x4a: {  	[bflag:$0x0] =	sbarrier.arrive $0xFFFF  }
0x4b: {  	p0 =	sne.s32 s0, $0x0;
	_ =	strace $0x90000047  }
0x4c: {  	s0 =	sadd.s32 @!p0 $0x100000, s2;
	[bflag:$0x2] =	sbarrier.arrive $0xFFFF  }
0x4d: {  	[sflag:s0] =	ssyncadd.tile.s32 @!p0 $0x1;
	_ =	shalt  }
.Lfunc_end2:
_tile_overlayer_lowered:
.L_overlay_start_2:
0x4e: {  	(tag) =	ssettag $0x2  }
0x4f: {  	s0 =	rddreg [dreg:$0x0];
	s2 =	stileid.u32  }
0x50: {  	s1 =	rddreg [dreg:$0x1];
	p0 =	sne.s32 s2, $0x0  }
0x51: {  	s3 =	rddreg [dreg:$0x2];
	[bflag:$0x3] =	sbarrier.arrive $0xFFFF;
	s2 =	simm.s32 @!p0 $0x1C02  }
0x52: {  	[timem:s3], [sflag:s2] =	dma.local @!p0 [hbm:s0], s1  }
0x53: {  	s0 =	simm.s32 @!p0 $0x2  }
0x54: {  	_ =	swait.ge @!p0 [sflag:s0], s1  }
0x55: {  	s1 =	ssub.s32 @!p0 $0x0, s1;
	[sflag:s0] =	ssyncset.done @!p0 $0x0  }
0x56: {  	[sflag:s0] =	ssyncadd.s32 @!p0 s1  }
0x57: {  	[bflag:$0x3] =	sbarrier.arrive $0xFFFF  }
0x58: {  	_ =	shalt  }

</sc_bundles>
